<compile_context>
chip_gen: v7x
topology: tpu7x:2x2x1
jax: 0.10.2.dev20260603
libtpu: 0.0.44.dev20260713+nightly
codegen_flags: <defaults>
</compile_context>

<pallas_src>
import functools

import jax
import jax.numpy as jnp
from jax import lax
from jax.experimental import pallas as pl
from jax.experimental.pallas import tpu as pltpu
from jax.experimental.pallas import tpu_sc as plsc

_NUM_CORES = 2
_NUM_SUBCORES = 16
_NW = _NUM_CORES * _NUM_SUBCORES
_CH = 32


@functools.partial(jax.jit, static_argnames=("n", "d"))
def _gather_rows(flat_ids, table, n, d):
    n_per_w = n // _NW
    nch = n_per_w // _CH
    mesh = plsc.VectorSubcoreMesh(core_axis_name="c", subcore_axis_name="s")

    nbuf = 3

    @functools.partial(
        pl.kernel,
        mesh=mesh,
        out_type=jax.ShapeDtypeStruct((n, d), jnp.float32),
        scratch_types=[
            pltpu.VMEM((n_per_w,), jnp.int32),
            pltpu.VMEM((nbuf, _CH, d), jnp.float32),
            pltpu.SemaphoreType.DMA,
            pltpu.SemaphoreType.DMA,
            pltpu.SemaphoreType.DMA,
            pltpu.SemaphoreType.DMA,
            pltpu.SemaphoreType.DMA,
            pltpu.SemaphoreType.DMA,
        ],
    )
    def k(ids_hbm, table_hbm, out_hbm, idx_v, rows_v, g0, g1, g2, s0, s1, s2):
        gsems = (g0, g1, g2)
        ssems = (s0, s1, s2)
        wid = lax.axis_index("s") * _NUM_CORES + lax.axis_index("c")
        base = pl.multiple_of(wid * n_per_w, n_per_w)
        pltpu.sync_copy(ids_hbm.at[pl.ds(base, n_per_w)], idx_v)

        def gather(g, b):
            off = pl.multiple_of(g * _CH, _CH)
            return pltpu.make_async_copy(
                table_hbm.at[idx_v.at[pl.ds(off, _CH)]], rows_v.at[b], gsems[b]
            )

        def scatter(g, b):
            off = pl.multiple_of(base + g * _CH, _CH)
            return pltpu.make_async_copy(
                rows_v.at[b], out_hbm.at[pl.ds(off, _CH)], ssems[b]
            )

        gather(0, 0).start()
        gather(1, 1).start()

        n_main = (nch // nbuf) * nbuf

        def step(i, _):
            for b in range(nbuf):
                g = nbuf * i + b
                gather(g, b).wait()
                scatter(g, b).start()

                @pl.when(g >= 1)
                def _():
                    scatter(g - 1, (b + 2) % nbuf).wait()

                @pl.when(g + 2 < nch)
                def _():
                    gather(g + 2, (b + 2) % nbuf).start()

            return 0

        lax.fori_loop(0, n_main // nbuf, step, 0)
        for g in range(n_main, nch):
            b = g % nbuf
            gather(g, b).wait()
            scatter(g, b).start()
            scatter(g - 1, (g - 1) % nbuf).wait()
        scatter(nch - 1, (nch - 1) % nbuf).wait()

    return k(flat_ids, table)


def kernel(position_ids, pos_enc):
    b, s = position_ids.shape
    v, d = pos_enc.shape
    flat_ids = position_ids.reshape(b * s).astype(jnp.int32)
    out = _gather_rows(flat_ids, pos_enc, b * s, d)
    return out.reshape(b, s, d)

# --- scband reference (transcript-rebuilt; emitter-appended) ---
"""Pipeline reference for scband-fixed-positional-encoding-5626407158038 (READ-ONLY COPY).

The authoritative reference and input builder live on the scoring server;
editing this copy changes nothing except your own understanding.
"""

import math
import jax, jax.numpy as jnp
import numpy as np

HIDDEN_SIZE = 1024
MAX_SEQ_LEN = 8192
BATCH = 4
SEQ_LEN = 8192


def _build_pos_enc():
    position = np.arange(0.0, MAX_SEQ_LEN, dtype=np.float32)[:, None]
    coef = -math.log(10000.0) / HIDDEN_SIZE
    div_term = np.exp(coef * np.arange(0.0, HIDDEN_SIZE, 2, dtype=np.float32))
    pos_enc = np.zeros((MAX_SEQ_LEN, HIDDEN_SIZE), dtype=np.float32)
    pos_enc[:, 0::2] = np.sin(position * div_term)
    pos_enc[:, 1::2] = np.cos(position * div_term)
    pos_enc /= math.sqrt(HIDDEN_SIZE)
    return jnp.asarray(pos_enc)


def setup_inputs(seed: int = 0) -> dict:
    key = jax.random.key(seed)
    position_ids = jax.random.randint(key, (BATCH, SEQ_LEN), 0, MAX_SEQ_LEN, dtype=jnp.int64 if jax.config.jax_enable_x64 else jnp.int32)
    pos_enc = _build_pos_enc()
    return {"position_ids": position_ids, "pos_enc": pos_enc}


def reference(position_ids, pos_enc):
    # torch.embedding(weight, indices) == weight[indices]
    return jnp.take(pos_enc, position_ids, axis=0)

if __name__ == "__main__":
    import jax
    _d = setup_inputs()
    print(jax.jit(kernel)(*tuple(_d.values())))

</pallas_src>

<mosaic_0001>
#map = affine_map<(d0, d1) -> (0)>
#map1 = affine_map<(d0, d1) -> (0, 0)>
module attributes {stable_mosaic.version = 14 : i64} {
  func.func @k(%arg0: i32, %arg1: i32, %arg2: memref<32768xi32, #tpu.memory_space<hbm>>, %arg3: memref<8192x1024xf32, #tpu.memory_space<hbm>>, %arg4: memref<32768x1024xf32, #tpu.memory_space<hbm>>, %arg5: memref<1024xi32, #tpu.memory_space<vmem>>, %arg6: memref<3x32x1024xf32, #tpu.memory_space<vmem>>, %arg7: memref<!tpu.dma_semaphore, #tpu.memory_space<semaphore_mem>>, %arg8: memref<!tpu.dma_semaphore, #tpu.memory_space<semaphore_mem>>, %arg9: memref<!tpu.dma_semaphore, #tpu.memory_space<semaphore_mem>>, %arg10: memref<!tpu.dma_semaphore, #tpu.memory_space<semaphore_mem>>, %arg11: memref<!tpu.dma_semaphore, #tpu.memory_space<semaphore_mem>>, %arg12: memref<!tpu.dma_semaphore, #tpu.memory_space<semaphore_mem>>) attributes {dimension_semantics = [#tpu.dimension_semantics<core_parallel>, #tpu.dimension_semantics<subcore_parallel>], iteration_bounds = array<i64: 2, 16>, scalar_prefetch = 0 : i64, scratch_operands = 8 : i64, tpu.core_type = #tpu.core_type<sc_vector_subcore>, window_params = [{transform_indices = #map}, {transform_indices = #map1}, {transform_indices = #map1}]} {
    %mul3A = arith.constant 2 : i32
    %mul3A_0 = arith.muli %arg1, %mul3A : i32
    %add3A = arith.addi %mul3A_0, %arg0 : i32
    %mul3A_1 = arith.constant 1024 : i32
    %mul3A_2 = arith.muli %add3A, %mul3A_1 : i32
    %multiple_of3A = tpu.assume_multiple %mul3A_2, 1024 : i32
    "tpu.region"() ({
      %run_scoped3A = tpu.sem_alloc : memref<!tpu.dma_semaphore, #tpu.memory_space<semaphore_mem>>
      %dma_start3A_131 = tpu.memref_slice %arg2[%multiple_of3A] : memref<32768xi32, #tpu.memory_space<hbm>> -> memref<1024xi32, #tpu.memory_space<hbm>>
      %dma_start3A_132 = tpu.memref_slice %arg2[%multiple_of3A] : memref<32768xi32, #tpu.memory_space<hbm>> -> memref<1024xi32, #tpu.memory_space<hbm>>
      tpu.enqueue_dma source(%dma_start3A_132 : memref<1024xi32, #tpu.memory_space<hbm>>) target(%arg5 : memref<1024xi32, #tpu.memory_space<vmem>>) target_semaphore(%run_scoped3A : memref<!tpu.dma_semaphore, #tpu.memory_space<semaphore_mem>>)
      %dma_wait3A_133 = tpu.memref_slice %arg2[%multiple_of3A] : memref<32768xi32, #tpu.memory_space<hbm>> -> memref<1024xi32, #tpu.memory_space<hbm>>
      %dma_wait3A_134 = tpu.memref_slice %arg2[%multiple_of3A] : memref<32768xi32, #tpu.memory_space<hbm>> -> memref<1024xi32, #tpu.memory_space<hbm>>
      tpu.wait_dma2 semaphore(%run_scoped3A : memref<!tpu.dma_semaphore, #tpu.memory_space<semaphore_mem>>) src(%dma_wait3A_134 : memref<1024xi32, #tpu.memory_space<hbm>>) dst(%arg5 : memref<1024xi32, #tpu.memory_space<vmem>>)
      tpu.yield
    }) : () -> ()
    %multiple_of3A_3 = arith.constant 0 : i32
    %multiple_of3A_4 = tpu.assume_multiple %multiple_of3A_3, 32 : i32
    %dma_start3A = arith.constant 0 : i32
    %dma_start3A_5 = arith.constant 0 : i32
    %dma_start3A_6 = arith.constant 0 : i32
    %dma_start3A_7 = tpu.memref_slice %arg6[%dma_start3A, %dma_start3A_5, %dma_start3A_6] : memref<3x32x1024xf32, #tpu.memory_space<vmem>> -> memref<1x32x1024xf32, #tpu.memory_space<vmem>>
    %dma_start3A_8 = tpu.memref_squeeze %dma_start3A_7 : memref<1x32x1024xf32, #tpu.memory_space<vmem>> -> memref<32x1024xf32, #tpu.memory_space<vmem>>
    %dma_start3A_9 = tpu.memref_slice %arg5[%multiple_of3A_4] : memref<1024xi32, #tpu.memory_space<vmem>> -> memref<32xi32, #tpu.memory_space<vmem>>
    %dma_start3A_10 = arith.constant 0 : i32
    %dma_start3A_11 = arith.constant 0 : i32
    %dma_start3A_12 = tpu.memref_slice %arg3[%dma_start3A_10, %dma_start3A_11] : memref<8192x1024xf32, #tpu.memory_space<hbm>> -> memref<8192x1024xf32, #tpu.memory_space<hbm>>
    tpu.enqueue_indirect_dma source(%dma_start3A_12 : memref<8192x1024xf32, #tpu.memory_space<hbm>>) target(%dma_start3A_8 : memref<32x1024xf32, #tpu.memory_space<vmem>>) offsets(%dma_start3A_9 : memref<32xi32, #tpu.memory_space<vmem>>) semaphore(%arg7 : memref<!tpu.dma_semaphore, #tpu.memory_space<semaphore_mem>>)
    %multiple_of3A_13 = arith.constant 32 : i32
    %multiple_of3A_14 = tpu.assume_multiple %multiple_of3A_13, 32 : i32
    %dma_start3A_15 = arith.constant 1 : i32
    %dma_start3A_16 = arith.constant 0 : i32
    %dma_start3A_17 = arith.constant 0 : i32
    %dma_start3A_18 = tpu.memref_slice %arg6[%dma_start3A_15, %dma_start3A_16, %dma_start3A_17] : memref<3x32x1024xf32, #tpu.memory_space<vmem>> -> memref<1x32x1024xf32, #tpu.memory_space<vmem>>
    %dma_start3A_19 = tpu.memref_squeeze %dma_start3A_18 : memref<1x32x1024xf32, #tpu.memory_space<vmem>> -> memref<32x1024xf32, #tpu.memory_space<vmem>>
    %dma_start3A_20 = tpu.memref_slice %arg5[%multiple_of3A_14] : memref<1024xi32, #tpu.memory_space<vmem>> -> memref<32xi32, #tpu.memory_space<vmem>>
    %dma_start3A_21 = arith.constant 0 : i32
    %dma_start3A_22 = arith.constant 0 : i32
    %dma_start3A_23 = tpu.memref_slice %arg3[%dma_start3A_21, %dma_start3A_22] : memref<8192x1024xf32, #tpu.memory_space<hbm>> -> memref<8192x1024xf32, #tpu.memory_space<hbm>>
    tpu.enqueue_indirect_dma source(%dma_start3A_23 : memref<8192x1024xf32, #tpu.memory_space<hbm>>) target(%dma_start3A_19 : memref<32x1024xf32, #tpu.memory_space<vmem>>) offsets(%dma_start3A_20 : memref<32xi32, #tpu.memory_space<vmem>>) semaphore(%arg8 : memref<!tpu.dma_semaphore, #tpu.memory_space<semaphore_mem>>)
    %scan3A = arith.constant 0 : i32
    %scan3A_24 = arith.constant 0 : i32
    %scan3A_25 = arith.constant 10 : i32
    %scan3A_26 = arith.addi %scan3A_24, %scan3A_25 : i32
    %scan3A_27 = arith.constant 1 : i32
    %scan3A_28 = scf.for %scan3A_131 = %scan3A_24 to %scan3A_26 step %scan3A_27 iter_args(%scan3A_132 = %scan3A) -> (i32)  : i32 {
      %mul3A_133 = arith.constant 3 : i32
      %mul3A_134 = arith.muli %mul3A_133, %scan3A_131 : i32
      %add3A_135 = arith.constant 0 : i32
      %add3A_136 = arith.addi %mul3A_134, %add3A_135 : i32
      %mul3A_137 = arith.constant 32 : i32
      %mul3A_138 = arith.muli %add3A_136, %mul3A_137 : i32
      %multiple_of3A_139 = tpu.assume_multiple %mul3A_138, 32 : i32
      %dma_wait3A_140 = arith.constant 0 : i32
      %dma_wait3A_141 = arith.constant 0 : i32
      %dma_wait3A_142 = arith.constant 0 : i32
      %dma_wait3A_143 = tpu.memref_slice %arg6[%dma_wait3A_140, %dma_wait3A_141, %dma_wait3A_142] : memref<3x32x1024xf32, #tpu.memory_space<vmem>> -> memref<1x32x1024xf32, #tpu.memory_space<vmem>>
      %dma_wait3A_144 = tpu.memref_squeeze %dma_wait3A_143 : memref<1x32x1024xf32, #tpu.memory_space<vmem>> -> memref<32x1024xf32, #tpu.memory_space<vmem>>
      %dma_wait3A_145 = tpu.memref_slice %arg5[%multiple_of3A_139] : memref<1024xi32, #tpu.memory_space<vmem>> -> memref<32xi32, #tpu.memory_space<vmem>>
      %dma_wait3A_146 = arith.constant 0 : i32
      %dma_wait3A_147 = arith.constant 0 : i32
      %dma_wait3A_148 = tpu.memref_slice %arg3[%dma_wait3A_146, %dma_wait3A_147] : memref<8192x1024xf32, #tpu.memory_space<hbm>> -> memref<8192x1024xf32, #tpu.memory_space<hbm>>
      tpu.wait_indirect_dma semaphore(%arg7 : memref<!tpu.dma_semaphore, #tpu.memory_space<semaphore_mem>>) src(%dma_wait3A_148 : memref<8192x1024xf32, #tpu.memory_space<hbm>>) dst(%dma_wait3A_144 : memref<32x1024xf32, #tpu.memory_space<vmem>>)
      %mul3A_149 = arith.constant 32 : i32
      %mul3A_150 = arith.muli %add3A_136, %mul3A_149 : i32
      %add3A_151 = arith.addi %multiple_of3A, %mul3A_150 : i32
      %multiple_of3A_152 = tpu.assume_multiple %add3A_151, 32 : i32
      %dma_start3A_153 = arith.constant 0 : i32
      %dma_start3A_154 = arith.constant 0 : i32
      %dma_start3A_155 = arith.constant 0 : i32
      %dma_start3A_156 = tpu.memref_slice %arg6[%dma_start3A_153, %dma_start3A_154, %dma_start3A_155] : memref<3x32x1024xf32, #tpu.memory_space<vmem>> -> memref<1x32x1024xf32, #tpu.memory_space<vmem>>
      %dma_start3A_157 = tpu.memref_squeeze %dma_start3A_156 : memref<1x32x1024xf32, #tpu.memory_space<vmem>> -> memref<32x1024xf32, #tpu.memory_space<vmem>>
      %dma_start3A_158 = arith.constant 0 : i32
      %dma_start3A_159 = tpu.memref_slice %arg4[%multiple_of3A_152, %dma_start3A_158] : memref<32768x1024xf32, #tpu.memory_space<hbm>> -> memref<32x1024xf32, #tpu.memory_space<hbm>>
      %dma_start3A_160 = arith.constant 0 : i32
      %dma_start3A_161 = tpu.memref_slice %arg4[%multiple_of3A_152, %dma_start3A_160] : memref<32768x1024xf32, #tpu.memory_space<hbm>> -> memref<32x1024xf32, #tpu.memory_space<hbm>>
      %dma_start3A_162 = arith.constant 0 : i32
      %dma_start3A_163 = arith.constant 0 : i32
      %dma_start3A_164 = tpu.memref_slice %arg6[%dma_start3A_153, %dma_start3A_162, %dma_start3A_163] : memref<3x32x1024xf32, #tpu.memory_space<vmem>> -> memref<1x32x1024xf32, #tpu.memory_space<vmem>>
      %dma_start3A_165 = tpu.memref_squeeze %dma_start3A_164 : memref<1x32x1024xf32, #tpu.memory_space<vmem>> -> memref<32x1024xf32, #tpu.memory_space<vmem>>
      tpu.enqueue_dma source(%dma_start3A_165 : memref<32x1024xf32, #tpu.memory_space<vmem>>) target(%dma_start3A_161 : memref<32x1024xf32, #tpu.memory_space<hbm>>) target_semaphore(%arg10 : memref<!tpu.dma_semaphore, #tpu.memory_space<semaphore_mem>>)
      %ge3A = arith.constant 1 : i32
      %ge3A_166 = arith.cmpi sge, %add3A_136, %ge3A : i32
      %convert_element_type3A = arith.extui %ge3A_166 : i1 to i32
      %cond3A = arith.constant 0 : i32
      %cond3A_167 = arith.cmpi ne, %convert_element_type3A, %cond3A : i32
      scf.if %cond3A_167 {
        %sub3A = arith.constant 1 : i32
        %sub3A_265 = arith.subi %add3A_136, %sub3A : i32
        %mul3A_266 = arith.constant 32 : i32
        %mul3A_267 = arith.muli %sub3A_265, %mul3A_266 : i32
        %add3A_268 = arith.addi %multiple_of3A, %mul3A_267 : i32
        %multiple_of3A_269 = tpu.assume_multiple %add3A_268, 32 : i32
        %dma_wait3A_270 = arith.constant 2 : i32
        %dma_wait3A_271 = arith.constant 0 : i32
        %dma_wait3A_272 = arith.constant 0 : i32
        %dma_wait3A_273 = tpu.memref_slice %arg6[%dma_wait3A_270, %dma_wait3A_271, %dma_wait3A_272] : memref<3x32x1024xf32, #tpu.memory_space<vmem>> -> memref<1x32x1024xf32, #tpu.memory_space<vmem>>
        %dma_wait3A_274 = tpu.memref_squeeze %dma_wait3A_273 : memref<1x32x1024xf32, #tpu.memory_space<vmem>> -> memref<32x1024xf32, #tpu.memory_space<vmem>>
        %dma_wait3A_275 = arith.constant 0 : i32
        %dma_wait3A_276 = tpu.memref_slice %arg4[%multiple_of3A_269, %dma_wait3A_275] : memref<32768x1024xf32, #tpu.memory_space<hbm>> -> memref<32x1024xf32, #tpu.memory_space<hbm>>
        %dma_wait3A_277 = arith.constant 0 : i32
        %dma_wait3A_278 = tpu.memref_slice %arg4[%multiple_of3A_269, %dma_wait3A_277] : memref<32768x1024xf32, #tpu.memory_space<hbm>> -> memref<32x1024xf32, #tpu.memory_space<hbm>>
        %dma_wait3A_279 = arith.constant 0 : i32
        %dma_wait3A_280 = arith.constant 0 : i32
        %dma_wait3A_281 = tpu.memref_slice %arg6[%dma_wait3A_270, %dma_wait3A_279, %dma_wait3A_280] : memref<3x32x1024xf32, #tpu.memory_space<vmem>> -> memref<1x32x1024xf32, #tpu.memory_space<vmem>>
        %dma_wait3A_282 = tpu.memref_squeeze %dma_wait3A_281 : memref<1x32x1024xf32, #tpu.memory_space<vmem>> -> memref<32x1024xf32, #tpu.memory_space<vmem>>
        tpu.wait_dma2 semaphore(%arg12 : memref<!tpu.dma_semaphore, #tpu.memory_space<semaphore_mem>>) src(%dma_wait3A_282 : memref<32x1024xf32, #tpu.memory_space<vmem>>) dst(%dma_wait3A_278 : memref<32x1024xf32, #tpu.memory_space<hbm>>)
      } else {
      }
      %add3A_168 = arith.constant 2 : i32
      %add3A_169 = arith.addi %add3A_136, %add3A_168 : i32
      %lt3A = arith.constant 32 : i32
      %lt3A_170 = arith.cmpi slt, %add3A_169, %lt3A : i32
      %convert_element_type3A_171 = arith.extui %lt3A_170 : i1 to i32
      %cond3A_172 = arith.constant 0 : i32
      %cond3A_173 = arith.cmpi ne, %convert_element_type3A_171, %cond3A_172 : i32
      scf.if %cond3A_173 {
        %add3A_265 = arith.constant 2 : i32
        %add3A_266 = arith.addi %add3A_136, %add3A_265 : i32
        %mul3A_267 = arith.constant 32 : i32
        %mul3A_268 = arith.muli %add3A_266, %mul3A_267 : i32
        %multiple_of3A_269 = tpu.assume_multiple %mul3A_268, 32 : i32
        %dma_start3A_270 = arith.constant 2 : i32
        %dma_start3A_271 = arith.constant 0 : i32
        %dma_start3A_272 = arith.constant 0 : i32
        %dma_start3A_273 = tpu.memref_slice %arg6[%dma_start3A_270, %dma_start3A_271, %dma_start3A_272] : memref<3x32x1024xf32, #tpu.memory_space<vmem>> -> memref<1x32x1024xf32, #tpu.memory_space<vmem>>
        %dma_start3A_274 = tpu.memref_squeeze %dma_start3A_273 : memref<1x32x1024xf32, #tpu.memory_space<vmem>> -> memref<32x1024xf32, #tpu.memory_space<vmem>>
        %dma_start3A_275 = tpu.memref_slice %arg5[%multiple_of3A_269] : memref<1024xi32, #tpu.memory_space<vmem>> -> memref<32xi32, #tpu.memory_space<vmem>>
        %dma_start3A_276 = arith.constant 0 : i32
        %dma_start3A_277 = arith.constant 0 : i32
        %dma_start3A_278 = tpu.memref_slice %arg3[%dma_start3A_276, %dma_start3A_277] : memref<8192x1024xf32, #tpu.memory_space<hbm>> -> memref<8192x1024xf32, #tpu.memory_space<hbm>>
        tpu.enqueue_indirect_dma source(%dma_start3A_278 : memref<8192x1024xf32, #tpu.memory_space<hbm>>) target(%dma_start3A_274 : memref<32x1024xf32, #tpu.memory_space<vmem>>) offsets(%dma_start3A_275 : memref<32xi32, #tpu.memory_space<vmem>>) semaphore(%arg9 : memref<!tpu.dma_semaphore, #tpu.memory_space<semaphore_mem>>)
      } else {
      }
      %mul3A_174 = arith.constant 3 : i32
      %mul3A_175 = arith.muli %mul3A_174, %scan3A_131 : i32
      %add3A_176 = arith.constant 1 : i32
      %add3A_177 = arith.addi %mul3A_175, %add3A_176 : i32
      %mul3A_178 = arith.constant 32 : i32
      %mul3A_179 = arith.muli %add3A_177, %mul3A_178 : i32
      %multiple_of3A_180 = tpu.assume_multiple %mul3A_179, 32 : i32
      %dma_wait3A_181 = arith.constant 1 : i32
      %dma_wait3A_182 = arith.constant 0 : i32
      %dma_wait3A_183 = arith.constant 0 : i32
      %dma_wait3A_184 = tpu.memref_slice %arg6[%dma_wait3A_181, %dma_wait3A_182, %dma_wait3A_183] : memref<3x32x1024xf32, #tpu.memory_space<vmem>> -> memref<1x32x1024xf32, #tpu.memory_space<vmem>>
      %dma_wait3A_185 = tpu.memref_squeeze %dma_wait3A_184 : memref<1x32x1024xf32, #tpu.memory_space<vmem>> -> memref<32x1024xf32, #tpu.memory_space<vmem>>
      %dma_wait3A_186 = tpu.memref_slice %arg5[%multiple_of3A_180] : memref<1024xi32, #tpu.memory_space<vmem>> -> memref<32xi32, #tpu.memory_space<vmem>>
      %dma_wait3A_187 = arith.constant 0 : i32
      %dma_wait3A_188 = arith.constant 0 : i32
      %dma_wait3A_189 = tpu.memref_slice %arg3[%dma_wait3A_187, %dma_wait3A_188] : memref<8192x1024xf32, #tpu.memory_space<hbm>> -> memref<8192x1024xf32, #tpu.memory_space<hbm>>
      tpu.wait_indirect_dma semaphore(%arg8 : memref<!tpu.dma_semaphore, #tpu.memory_space<semaphore_mem>>) src(%dma_wait3A_189 : memref<8192x1024xf32, #tpu.memory_space<hbm>>) dst(%dma_wait3A_185 : memref<32x1024xf32, #tpu.memory_space<vmem>>)
      %mul3A_190 = arith.constant 32 : i32
      %mul3A_191 = arith.muli %add3A_177, %mul3A_190 : i32
      %add3A_192 = arith.addi %multiple_of3A, %mul3A_191 : i32
      %multiple_of3A_193 = tpu.assume_multiple %add3A_192, 32 : i32
      %dma_start3A_194 = arith.constant 1 : i32
      %dma_start3A_195 = arith.constant 0 : i32
      %dma_start3A_196 = arith.constant 0 : i32
      %dma_start3A_197 = tpu.memref_slice %arg6[%dma_start3A_194, %dma_start3A_195, %dma_start3A_196] : memref<3x32x1024xf32, #tpu.memory_space<vmem>> -> memref<1x32x1024xf32, #tpu.memory_space<vmem>>
      %dma_start3A_198 = tpu.memref_squeeze %dma_start3A_197 : memref<1x32x1024xf32, #tpu.memory_space<vmem>> -> memref<32x1024xf32, #tpu.memory_space<vmem>>
      %dma_start3A_199 = arith.constant 0 : i32
      %dma_start3A_200 = tpu.memref_slice %arg4[%multiple_of3A_193, %dma_start3A_199] : memref<32768x1024xf32, #tpu.memory_space<hbm>> -> memref<32x1024xf32, #tpu.memory_space<hbm>>
      %dma_start3A_201 = arith.constant 0 : i32
      %dma_start3A_202 = tpu.memref_slice %arg4[%multiple_of3A_193, %dma_start3A_201] : memref<32768x1024xf32, #tpu.memory_space<hbm>> -> memref<32x1024xf32, #tpu.memory_space<hbm>>
      %dma_start3A_203 = arith.constant 0 : i32
      %dma_start3A_204 = arith.constant 0 : i32
      %dma_start3A_205 = tpu.memref_slice %arg6[%dma_start3A_194, %dma_start3A_203, %dma_start3A_204] : memref<3x32x1024xf32, #tpu.memory_space<vmem>> -> memref<1x32x1024xf32, #tpu.memory_space<vmem>>
      %dma_start3A_206 = tpu.memref_squeeze %dma_start3A_205 : memref<1x32x1024xf32, #tpu.memory_space<vmem>> -> memref<32x1024xf32, #tpu.memory_space<vmem>>
      tpu.enqueue_dma source(%dma_start3A_206 : memref<32x1024xf32, #tpu.memory_space<vmem>>) target(%dma_start3A_202 : memref<32x1024xf32, #tpu.memory_space<hbm>>) target_semaphore(%arg11 : memref<!tpu.dma_semaphore, #tpu.memory_space<semaphore_mem>>)
      %ge3A_207 = arith.constant 1 : i32
      %ge3A_208 = arith.cmpi sge, %add3A_177, %ge3A_207 : i32
      %convert_element_type3A_209 = arith.extui %ge3A_208 : i1 to i32
      %cond3A_210 = arith.constant 0 : i32
      %cond3A_211 = arith.cmpi ne, %convert_element_type3A_209, %cond3A_210 : i32
      scf.if %cond3A_211 {
        %sub3A = arith.constant 1 : i32
        %sub3A_265 = arith.subi %add3A_177, %sub3A : i32
        %mul3A_266 = arith.constant 32 : i32
        %mul3A_267 = arith.muli %sub3A_265, %mul3A_266 : i32
        %add3A_268 = arith.addi %multiple_of3A, %mul3A_267 : i32
        %multiple_of3A_269 = tpu.assume_multiple %add3A_268, 32 : i32
        %dma_wait3A_270 = arith.constant 0 : i32
        %dma_wait3A_271 = arith.constant 0 : i32
        %dma_wait3A_272 = arith.constant 0 : i32
        %dma_wait3A_273 = tpu.memref_slice %arg6[%dma_wait3A_270, %dma_wait3A_271, %dma_wait3A_272] : memref<3x32x1024xf32, #tpu.memory_space<vmem>> -> memref<1x32x1024xf32, #tpu.memory_space<vmem>>
        %dma_wait3A_274 = tpu.memref_squeeze %dma_wait3A_273 : memref<1x32x1024xf32, #tpu.memory_space<vmem>> -> memref<32x1024xf32, #tpu.memory_space<vmem>>
        %dma_wait3A_275 = arith.constant 0 : i32
        %dma_wait3A_276 = tpu.memref_slice %arg4[%multiple_of3A_269, %dma_wait3A_275] : memref<32768x1024xf32, #tpu.memory_space<hbm>> -> memref<32x1024xf32, #tpu.memory_space<hbm>>
        %dma_wait3A_277 = arith.constant 0 : i32
        %dma_wait3A_278 = tpu.memref_slice %arg4[%multiple_of3A_269, %dma_wait3A_277] : memref<32768x1024xf32, #tpu.memory_space<hbm>> -> memref<32x1024xf32, #tpu.memory_space<hbm>>
        %dma_wait3A_279 = arith.constant 0 : i32
        %dma_wait3A_280 = arith.constant 0 : i32
        %dma_wait3A_281 = tpu.memref_slice %arg6[%dma_wait3A_270, %dma_wait3A_279, %dma_wait3A_280] : memref<3x32x1024xf32, #tpu.memory_space<vmem>> -> memref<1x32x1024xf32, #tpu.memory_space<vmem>>
        %dma_wait3A_282 = tpu.memref_squeeze %dma_wait3A_281 : memref<1x32x1024xf32, #tpu.memory_space<vmem>> -> memref<32x1024xf32, #tpu.memory_space<vmem>>
        tpu.wait_dma2 semaphore(%arg10 : memref<!tpu.dma_semaphore, #tpu.memory_space<semaphore_mem>>) src(%dma_wait3A_282 : memref<32x1024xf32, #tpu.memory_space<vmem>>) dst(%dma_wait3A_278 : memref<32x1024xf32, #tpu.memory_space<hbm>>)
      } else {
      }
      %add3A_212 = arith.constant 2 : i32
      %add3A_213 = arith.addi %add3A_177, %add3A_212 : i32
      %lt3A_214 = arith.constant 32 : i32
      %lt3A_215 = arith.cmpi slt, %add3A_213, %lt3A_214 : i32
      %convert_element_type3A_216 = arith.extui %lt3A_215 : i1 to i32
      %cond3A_217 = arith.constant 0 : i32
      %cond3A_218 = arith.cmpi ne, %convert_element_type3A_216, %cond3A_217 : i32
      scf.if %cond3A_218 {
        %add3A_265 = arith.constant 2 : i32
        %add3A_266 = arith.addi %add3A_177, %add3A_265 : i32
        %mul3A_267 = arith.constant 32 : i32
        %mul3A_268 = arith.muli %add3A_266, %mul3A_267 : i32
        %multiple_of3A_269 = tpu.assume_multiple %mul3A_268, 32 : i32
        %dma_start3A_270 = arith.constant 0 : i32
        %dma_start3A_271 = arith.constant 0 : i32
        %dma_start3A_272 = arith.constant 0 : i32
        %dma_start3A_273 = tpu.memref_slice %arg6[%dma_start3A_270, %dma_start3A_271, %dma_start3A_272] : memref<3x32x1024xf32, #tpu.memory_space<vmem>> -> memref<1x32x1024xf32, #tpu.memory_space<vmem>>
        %dma_start3A_274 = tpu.memref_squeeze %dma_start3A_273 : memref<1x32x1024xf32, #tpu.memory_space<vmem>> -> memref<32x1024xf32, #tpu.memory_space<vmem>>
        %dma_start3A_275 = tpu.memref_slice %arg5[%multiple_of3A_269] : memref<1024xi32, #tpu.memory_space<vmem>> -> memref<32xi32, #tpu.memory_space<vmem>>
        %dma_start3A_276 = arith.constant 0 : i32
        %dma_start3A_277 = arith.constant 0 : i32
        %dma_start3A_278 = tpu.memref_slice %arg3[%dma_start3A_276, %dma_start3A_277] : memref<8192x1024xf32, #tpu.memory_space<hbm>> -> memref<8192x1024xf32, #tpu.memory_space<hbm>>
        tpu.enqueue_indirect_dma source(%dma_start3A_278 : memref<8192x1024xf32, #tpu.memory_space<hbm>>) target(%dma_start3A_274 : memref<32x1024xf32, #tpu.memory_space<vmem>>) offsets(%dma_start3A_275 : memref<32xi32, #tpu.memory_space<vmem>>) semaphore(%arg7 : memref<!tpu.dma_semaphore, #tpu.memory_space<semaphore_mem>>)
      } else {
      }
      %mul3A_219 = arith.constant 3 : i32
      %mul3A_220 = arith.muli %mul3A_219, %scan3A_131 : i32
      %add3A_221 = arith.constant 2 : i32
      %add3A_222 = arith.addi %mul3A_220, %add3A_221 : i32
      %mul3A_223 = arith.constant 32 : i32
      %mul3A_224 = arith.muli %add3A_222, %mul3A_223 : i32
      %multiple_of3A_225 = tpu.assume_multiple %mul3A_224, 32 : i32
      %dma_wait3A_226 = arith.constant 2 : i32
      %dma_wait3A_227 = arith.constant 0 : i32
      %dma_wait3A_228 = arith.constant 0 : i32
      %dma_wait3A_229 = tpu.memref_slice %arg6[%dma_wait3A_226, %dma_wait3A_227, %dma_wait3A_228] : memref<3x32x1024xf32, #tpu.memory_space<vmem>> -> memref<1x32x1024xf32, #tpu.memory_space<vmem>>
      %dma_wait3A_230 = tpu.memref_squeeze %dma_wait3A_229 : memref<1x32x1024xf32, #tpu.memory_space<vmem>> -> memref<32x1024xf32, #tpu.memory_space<vmem>>
      %dma_wait3A_231 = tpu.memref_slice %arg5[%multiple_of3A_225] : memref<1024xi32, #tpu.memory_space<vmem>> -> memref<32xi32, #tpu.memory_space<vmem>>
      %dma_wait3A_232 = arith.constant 0 : i32
      %dma_wait3A_233 = arith.constant 0 : i32
      %dma_wait3A_234 = tpu.memref_slice %arg3[%dma_wait3A_232, %dma_wait3A_233] : memref<8192x1024xf32, #tpu.memory_space<hbm>> -> memref<8192x1024xf32, #tpu.memory_space<hbm>>
      tpu.wait_indirect_dma semaphore(%arg9 : memref<!tpu.dma_semaphore, #tpu.memory_space<semaphore_mem>>) src(%dma_wait3A_234 : memref<8192x1024xf32, #tpu.memory_space<hbm>>) dst(%dma_wait3A_230 : memref<32x1024xf32, #tpu.memory_space<vmem>>)
      %mul3A_235 = arith.constant 32 : i32
      %mul3A_236 = arith.muli %add3A_222, %mul3A_235 : i32
      %add3A_237 = arith.addi %multiple_of3A, %mul3A_236 : i32
      %multiple_of3A_238 = tpu.assume_multiple %add3A_237, 32 : i32
      %dma_start3A_239 = arith.constant 2 : i32
      %dma_start3A_240 = arith.constant 0 : i32
      %dma_start3A_241 = arith.constant 0 : i32
      %dma_start3A_242 = tpu.memref_slice %arg6[%dma_start3A_239, %dma_start3A_240, %dma_start3A_241] : memref<3x32x1024xf32, #tpu.memory_space<vmem>> -> memref<1x32x1024xf32, #tpu.memory_space<vmem>>
      %dma_start3A_243 = tpu.memref_squeeze %dma_start3A_242 : memref<1x32x1024xf32, #tpu.memory_space<vmem>> -> memref<32x1024xf32, #tpu.memory_space<vmem>>
      %dma_start3A_244 = arith.constant 0 : i32
      %dma_start3A_245 = tpu.memref_slice %arg4[%multiple_of3A_238, %dma_start3A_244] : memref<32768x1024xf32, #tpu.memory_space<hbm>> -> memref<32x1024xf32, #tpu.memory_space<hbm>>
      %dma_start3A_246 = arith.constant 0 : i32
      %dma_start3A_247 = tpu.memref_slice %arg4[%multiple_of3A_238, %dma_start3A_246] : memref<32768x1024xf32, #tpu.memory_space<hbm>> -> memref<32x1024xf32, #tpu.memory_space<hbm>>
      %dma_start3A_248 = arith.constant 0 : i32
      %dma_start3A_249 = arith.constant 0 : i32
      %dma_start3A_250 = tpu.memref_slice %arg6[%dma_start3A_239, %dma_start3A_248, %dma_start3A_249] : memref<3x32x1024xf32, #tpu.memory_space<vmem>> -> memref<1x32x1024xf32, #tpu.memory_space<vmem>>
      %dma_start3A_251 = tpu.memref_squeeze %dma_start3A_250 : memref<1x32x1024xf32, #tpu.memory_space<vmem>> -> memref<32x1024xf32, #tpu.memory_space<vmem>>
      tpu.enqueue_dma source(%dma_start3A_251 : memref<32x1024xf32, #tpu.memory_space<vmem>>) target(%dma_start3A_247 : memref<32x1024xf32, #tpu.memory_space<hbm>>) target_semaphore(%arg12 : memref<!tpu.dma_semaphore, #tpu.memory_space<semaphore_mem>>)
      %ge3A_252 = arith.constant 1 : i32
      %ge3A_253 = arith.cmpi sge, %add3A_222, %ge3A_252 : i32
      %convert_element_type3A_254 = arith.extui %ge3A_253 : i1 to i32
      %cond3A_255 = arith.constant 0 : i32
      %cond3A_256 = arith.cmpi ne, %convert_element_type3A_254, %cond3A_255 : i32
      scf.if %cond3A_256 {
        %sub3A = arith.constant 1 : i32
        %sub3A_265 = arith.subi %add3A_222, %sub3A : i32
        %mul3A_266 = arith.constant 32 : i32
        %mul3A_267 = arith.muli %sub3A_265, %mul3A_266 : i32
        %add3A_268 = arith.addi %multiple_of3A, %mul3A_267 : i32
        %multiple_of3A_269 = tpu.assume_multiple %add3A_268, 32 : i32
        %dma_wait3A_270 = arith.constant 1 : i32
        %dma_wait3A_271 = arith.constant 0 : i32
        %dma_wait3A_272 = arith.constant 0 : i32
        %dma_wait3A_273 = tpu.memref_slice %arg6[%dma_wait3A_270, %dma_wait3A_271, %dma_wait3A_272] : memref<3x32x1024xf32, #tpu.memory_space<vmem>> -> memref<1x32x1024xf32, #tpu.memory_space<vmem>>
        %dma_wait3A_274 = tpu.memref_squeeze %dma_wait3A_273 : memref<1x32x1024xf32, #tpu.memory_space<vmem>> -> memref<32x1024xf32, #tpu.memory_space<vmem>>
        %dma_wait3A_275 = arith.constant 0 : i32
        %dma_wait3A_276 = tpu.memref_slice %arg4[%multiple_of3A_269, %dma_wait3A_275] : memref<32768x1024xf32, #tpu.memory_space<hbm>> -> memref<32x1024xf32, #tpu.memory_space<hbm>>
        %dma_wait3A_277 = arith.constant 0 : i32
        %dma_wait3A_278 = tpu.memref_slice %arg4[%multiple_of3A_269, %dma_wait3A_277] : memref<32768x1024xf32, #tpu.memory_space<hbm>> -> memref<32x1024xf32, #tpu.memory_space<hbm>>
        %dma_wait3A_279 = arith.constant 0 : i32
        %dma_wait3A_280 = arith.constant 0 : i32
        %dma_wait3A_281 = tpu.memref_slice %arg6[%dma_wait3A_270, %dma_wait3A_279, %dma_wait3A_280] : memref<3x32x1024xf32, #tpu.memory_space<vmem>> -> memref<1x32x1024xf32, #tpu.memory_space<vmem>>
        %dma_wait3A_282 = tpu.memref_squeeze %dma_wait3A_281 : memref<1x32x1024xf32, #tpu.memory_space<vmem>> -> memref<32x1024xf32, #tpu.memory_space<vmem>>
        tpu.wait_dma2 semaphore(%arg11 : memref<!tpu.dma_semaphore, #tpu.memory_space<semaphore_mem>>) src(%dma_wait3A_282 : memref<32x1024xf32, #tpu.memory_space<vmem>>) dst(%dma_wait3A_278 : memref<32x1024xf32, #tpu.memory_space<hbm>>)
      } else {
      }
      %add3A_257 = arith.constant 2 : i32
      %add3A_258 = arith.addi %add3A_222, %add3A_257 : i32
      %lt3A_259 = arith.constant 32 : i32
      %lt3A_260 = arith.cmpi slt, %add3A_258, %lt3A_259 : i32
      %convert_element_type3A_261 = arith.extui %lt3A_260 : i1 to i32
      %cond3A_262 = arith.constant 0 : i32
      %cond3A_263 = arith.cmpi ne, %convert_element_type3A_261, %cond3A_262 : i32
      scf.if %cond3A_263 {
        %add3A_265 = arith.constant 2 : i32
        %add3A_266 = arith.addi %add3A_222, %add3A_265 : i32
        %mul3A_267 = arith.constant 32 : i32
        %mul3A_268 = arith.muli %add3A_266, %mul3A_267 : i32
        %multiple_of3A_269 = tpu.assume_multiple %mul3A_268, 32 : i32
        %dma_start3A_270 = arith.constant 1 : i32
        %dma_start3A_271 = arith.constant 0 : i32
        %dma_start3A_272 = arith.constant 0 : i32
        %dma_start3A_273 = tpu.memref_slice %arg6[%dma_start3A_270, %dma_start3A_271, %dma_start3A_272] : memref<3x32x1024xf32, #tpu.memory_space<vmem>> -> memref<1x32x1024xf32, #tpu.memory_space<vmem>>
        %dma_start3A_274 = tpu.memref_squeeze %dma_start3A_273 : memref<1x32x1024xf32, #tpu.memory_space<vmem>> -> memref<32x1024xf32, #tpu.memory_space<vmem>>
        %dma_start3A_275 = tpu.memref_slice %arg5[%multiple_of3A_269] : memref<1024xi32, #tpu.memory_space<vmem>> -> memref<32xi32, #tpu.memory_space<vmem>>
        %dma_start3A_276 = arith.constant 0 : i32
        %dma_start3A_277 = arith.constant 0 : i32
        %dma_start3A_278 = tpu.memref_slice %arg3[%dma_start3A_276, %dma_start3A_277] : memref<8192x1024xf32, #tpu.memory_space<hbm>> -> memref<8192x1024xf32, #tpu.memory_space<hbm>>
        tpu.enqueue_indirect_dma source(%dma_start3A_278 : memref<8192x1024xf32, #tpu.memory_space<hbm>>) target(%dma_start3A_274 : memref<32x1024xf32, #tpu.memory_space<vmem>>) offsets(%dma_start3A_275 : memref<32xi32, #tpu.memory_space<vmem>>) semaphore(%arg8 : memref<!tpu.dma_semaphore, #tpu.memory_space<semaphore_mem>>)
      } else {
      }
      %scan3A_264 = arith.constant 0 : i32
      scf.yield %scan3A_264 : i32
    }
    %scan3A_29 = arith.constant 10 : i32
    %multiple_of3A_30 = arith.constant 960 : i32
    %multiple_of3A_31 = tpu.assume_multiple %multiple_of3A_30, 32 : i32
    %dma_wait3A = arith.constant 0 : i32
    %dma_wait3A_32 = arith.constant 0 : i32
    %dma_wait3A_33 = arith.constant 0 : i32
    %dma_wait3A_34 = tpu.memref_slice %arg6[%dma_wait3A, %dma_wait3A_32, %dma_wait3A_33] : memref<3x32x1024xf32, #tpu.memory_space<vmem>> -> memref<1x32x1024xf32, #tpu.memory_space<vmem>>
    %dma_wait3A_35 = tpu.memref_squeeze %dma_wait3A_34 : memref<1x32x1024xf32, #tpu.memory_space<vmem>> -> memref<32x1024xf32, #tpu.memory_space<vmem>>
    %dma_wait3A_36 = tpu.memref_slice %arg5[%multiple_of3A_31] : memref<1024xi32, #tpu.memory_space<vmem>> -> memref<32xi32, #tpu.memory_space<vmem>>
    %dma_wait3A_37 = arith.constant 0 : i32
    %dma_wait3A_38 = arith.constant 0 : i32
    %dma_wait3A_39 = tpu.memref_slice %arg3[%dma_wait3A_37, %dma_wait3A_38] : memref<8192x1024xf32, #tpu.memory_space<hbm>> -> memref<8192x1024xf32, #tpu.memory_space<hbm>>
    tpu.wait_indirect_dma semaphore(%arg7 : memref<!tpu.dma_semaphore, #tpu.memory_space<semaphore_mem>>) src(%dma_wait3A_39 : memref<8192x1024xf32, #tpu.memory_space<hbm>>) dst(%dma_wait3A_35 : memref<32x1024xf32, #tpu.memory_space<vmem>>)
    %add3A_40 = arith.constant 960 : i32
    %add3A_41 = arith.addi %multiple_of3A, %add3A_40 : i32
    %multiple_of3A_42 = tpu.assume_multiple %add3A_41, 32 : i32
    %dma_start3A_43 = arith.constant 0 : i32
    %dma_start3A_44 = arith.constant 0 : i32
    %dma_start3A_45 = arith.constant 0 : i32
    %dma_start3A_46 = tpu.memref_slice %arg6[%dma_start3A_43, %dma_start3A_44, %dma_start3A_45] : memref<3x32x1024xf32, #tpu.memory_space<vmem>> -> memref<1x32x1024xf32, #tpu.memory_space<vmem>>
    %dma_start3A_47 = tpu.memref_squeeze %dma_start3A_46 : memref<1x32x1024xf32, #tpu.memory_space<vmem>> -> memref<32x1024xf32, #tpu.memory_space<vmem>>
    %dma_start3A_48 = arith.constant 0 : i32
    %dma_start3A_49 = tpu.memref_slice %arg4[%multiple_of3A_42, %dma_start3A_48] : memref<32768x1024xf32, #tpu.memory_space<hbm>> -> memref<32x1024xf32, #tpu.memory_space<hbm>>
    %dma_start3A_50 = arith.constant 0 : i32
    %dma_start3A_51 = tpu.memref_slice %arg4[%multiple_of3A_42, %dma_start3A_50] : memref<32768x1024xf32, #tpu.memory_space<hbm>> -> memref<32x1024xf32, #tpu.memory_space<hbm>>
    %dma_start3A_52 = arith.constant 0 : i32
    %dma_start3A_53 = arith.constant 0 : i32
    %dma_start3A_54 = tpu.memref_slice %arg6[%dma_start3A_43, %dma_start3A_52, %dma_start3A_53] : memref<3x32x1024xf32, #tpu.memory_space<vmem>> -> memref<1x32x1024xf32, #tpu.memory_space<vmem>>
    %dma_start3A_55 = tpu.memref_squeeze %dma_start3A_54 : memref<1x32x1024xf32, #tpu.memory_space<vmem>> -> memref<32x1024xf32, #tpu.memory_space<vmem>>
    tpu.enqueue_dma source(%dma_start3A_55 : memref<32x1024xf32, #tpu.memory_space<vmem>>) target(%dma_start3A_51 : memref<32x1024xf32, #tpu.memory_space<hbm>>) target_semaphore(%arg10 : memref<!tpu.dma_semaphore, #tpu.memory_space<semaphore_mem>>)
    %add3A_56 = arith.constant 928 : i32
    %add3A_57 = arith.addi %multiple_of3A, %add3A_56 : i32
    %multiple_of3A_58 = tpu.assume_multiple %add3A_57, 32 : i32
    %dma_wait3A_59 = arith.constant 2 : i32
    %dma_wait3A_60 = arith.constant 0 : i32
    %dma_wait3A_61 = arith.constant 0 : i32
    %dma_wait3A_62 = tpu.memref_slice %arg6[%dma_wait3A_59, %dma_wait3A_60, %dma_wait3A_61] : memref<3x32x1024xf32, #tpu.memory_space<vmem>> -> memref<1x32x1024xf32, #tpu.memory_space<vmem>>
    %dma_wait3A_63 = tpu.memref_squeeze %dma_wait3A_62 : memref<1x32x1024xf32, #tpu.memory_space<vmem>> -> memref<32x1024xf32, #tpu.memory_space<vmem>>
    %dma_wait3A_64 = arith.constant 0 : i32
    %dma_wait3A_65 = tpu.memref_slice %arg4[%multiple_of3A_58, %dma_wait3A_64] : memref<32768x1024xf32, #tpu.memory_space<hbm>> -> memref<32x1024xf32, #tpu.memory_space<hbm>>
    %dma_wait3A_66 = arith.constant 0 : i32
    %dma_wait3A_67 = tpu.memref_slice %arg4[%multiple_of3A_58, %dma_wait3A_66] : memref<32768x1024xf32, #tpu.memory_space<hbm>> -> memref<32x1024xf32, #tpu.memory_space<hbm>>
    %dma_wait3A_68 = arith.constant 0 : i32
    %dma_wait3A_69 = arith.constant 0 : i32
    %dma_wait3A_70 = tpu.memref_slice %arg6[%dma_wait3A_59, %dma_wait3A_68, %dma_wait3A_69] : memref<3x32x1024xf32, #tpu.memory_space<vmem>> -> memref<1x32x1024xf32, #tpu.memory_space<vmem>>
    %dma_wait3A_71 = tpu.memref_squeeze %dma_wait3A_70 : memref<1x32x1024xf32, #tpu.memory_space<vmem>> -> memref<32x1024xf32, #tpu.memory_space<vmem>>
    tpu.wait_dma2 semaphore(%arg12 : memref<!tpu.dma_semaphore, #tpu.memory_space<semaphore_mem>>) src(%dma_wait3A_71 : memref<32x1024xf32, #tpu.memory_space<vmem>>) dst(%dma_wait3A_67 : memref<32x1024xf32, #tpu.memory_space<hbm>>)
    %multiple_of3A_72 = arith.constant 992 : i32
    %multiple_of3A_73 = tpu.assume_multiple %multiple_of3A_72, 32 : i32
    %dma_wait3A_74 = arith.constant 1 : i32
    %dma_wait3A_75 = arith.constant 0 : i32
    %dma_wait3A_76 = arith.constant 0 : i32
    %dma_wait3A_77 = tpu.memref_slice %arg6[%dma_wait3A_74, %dma_wait3A_75, %dma_wait3A_76] : memref<3x32x1024xf32, #tpu.memory_space<vmem>> -> memref<1x32x1024xf32, #tpu.memory_space<vmem>>
    %dma_wait3A_78 = tpu.memref_squeeze %dma_wait3A_77 : memref<1x32x1024xf32, #tpu.memory_space<vmem>> -> memref<32x1024xf32, #tpu.memory_space<vmem>>
    %dma_wait3A_79 = tpu.memref_slice %arg5[%multiple_of3A_73] : memref<1024xi32, #tpu.memory_space<vmem>> -> memref<32xi32, #tpu.memory_space<vmem>>
    %dma_wait3A_80 = arith.constant 0 : i32
    %dma_wait3A_81 = arith.constant 0 : i32
    %dma_wait3A_82 = tpu.memref_slice %arg3[%dma_wait3A_80, %dma_wait3A_81] : memref<8192x1024xf32, #tpu.memory_space<hbm>> -> memref<8192x1024xf32, #tpu.memory_space<hbm>>
    tpu.wait_indirect_dma semaphore(%arg8 : memref<!tpu.dma_semaphore, #tpu.memory_space<semaphore_mem>>) src(%dma_wait3A_82 : memref<8192x1024xf32, #tpu.memory_space<hbm>>) dst(%dma_wait3A_78 : memref<32x1024xf32, #tpu.memory_space<vmem>>)
    %add3A_83 = arith.constant 992 : i32
    %add3A_84 = arith.addi %multiple_of3A, %add3A_83 : i32
    %multiple_of3A_85 = tpu.assume_multiple %add3A_84, 32 : i32
    %dma_start3A_86 = arith.constant 1 : i32
    %dma_start3A_87 = arith.constant 0 : i32
    %dma_start3A_88 = arith.constant 0 : i32
    %dma_start3A_89 = tpu.memref_slice %arg6[%dma_start3A_86, %dma_start3A_87, %dma_start3A_88] : memref<3x32x1024xf32, #tpu.memory_space<vmem>> -> memref<1x32x1024xf32, #tpu.memory_space<vmem>>
    %dma_start3A_90 = tpu.memref_squeeze %dma_start3A_89 : memref<1x32x1024xf32, #tpu.memory_space<vmem>> -> memref<32x1024xf32, #tpu.memory_space<vmem>>
    %dma_start3A_91 = arith.constant 0 : i32
    %dma_start3A_92 = tpu.memref_slice %arg4[%multiple_of3A_85, %dma_start3A_91] : memref<32768x1024xf32, #tpu.memory_space<hbm>> -> memref<32x1024xf32, #tpu.memory_space<hbm>>
    %dma_start3A_93 = arith.constant 0 : i32
    %dma_start3A_94 = tpu.memref_slice %arg4[%multiple_of3A_85, %dma_start3A_93] : memref<32768x1024xf32, #tpu.memory_space<hbm>> -> memref<32x1024xf32, #tpu.memory_space<hbm>>
    %dma_start3A_95 = arith.constant 0 : i32
    %dma_start3A_96 = arith.constant 0 : i32
    %dma_start3A_97 = tpu.memref_slice %arg6[%dma_start3A_86, %dma_start3A_95, %dma_start3A_96] : memref<3x32x1024xf32, #tpu.memory_space<vmem>> -> memref<1x32x1024xf32, #tpu.memory_space<vmem>>
    %dma_start3A_98 = tpu.memref_squeeze %dma_start3A_97 : memref<1x32x1024xf32, #tpu.memory_space<vmem>> -> memref<32x1024xf32, #tpu.memory_space<vmem>>
    tpu.enqueue_dma source(%dma_start3A_98 : memref<32x1024xf32, #tpu.memory_space<vmem>>) target(%dma_start3A_94 : memref<32x1024xf32, #tpu.memory_space<hbm>>) target_semaphore(%arg11 : memref<!tpu.dma_semaphore, #tpu.memory_space<semaphore_mem>>)
    %add3A_99 = arith.constant 960 : i32
    %add3A_100 = arith.addi %multiple_of3A, %add3A_99 : i32
    %multiple_of3A_101 = tpu.assume_multiple %add3A_100, 32 : i32
    %dma_wait3A_102 = arith.constant 0 : i32
    %dma_wait3A_103 = arith.constant 0 : i32
    %dma_wait3A_104 = arith.constant 0 : i32
    %dma_wait3A_105 = tpu.memref_slice %arg6[%dma_wait3A_102, %dma_wait3A_103, %dma_wait3A_104] : memref<3x32x1024xf32, #tpu.memory_space<vmem>> -> memref<1x32x1024xf32, #tpu.memory_space<vmem>>
    %dma_wait3A_106 = tpu.memref_squeeze %dma_wait3A_105 : memref<1x32x1024xf32, #tpu.memory_space<vmem>> -> memref<32x1024xf32, #tpu.memory_space<vmem>>
    %dma_wait3A_107 = arith.constant 0 : i32
    %dma_wait3A_108 = tpu.memref_slice %arg4[%multiple_of3A_101, %dma_wait3A_107] : memref<32768x1024xf32, #tpu.memory_space<hbm>> -> memref<32x1024xf32, #tpu.memory_space<hbm>>
    %dma_wait3A_109 = arith.constant 0 : i32
    %dma_wait3A_110 = tpu.memref_slice %arg4[%multiple_of3A_101, %dma_wait3A_109] : memref<32768x1024xf32, #tpu.memory_space<hbm>> -> memref<32x1024xf32, #tpu.memory_space<hbm>>
    %dma_wait3A_111 = arith.constant 0 : i32
    %dma_wait3A_112 = arith.constant 0 : i32
    %dma_wait3A_113 = tpu.memref_slice %arg6[%dma_wait3A_102, %dma_wait3A_111, %dma_wait3A_112] : memref<3x32x1024xf32, #tpu.memory_space<vmem>> -> memref<1x32x1024xf32, #tpu.memory_space<vmem>>
    %dma_wait3A_114 = tpu.memref_squeeze %dma_wait3A_113 : memref<1x32x1024xf32, #tpu.memory_space<vmem>> -> memref<32x1024xf32, #tpu.memory_space<vmem>>
    tpu.wait_dma2 semaphore(%arg10 : memref<!tpu.dma_semaphore, #tpu.memory_space<semaphore_mem>>) src(%dma_wait3A_114 : memref<32x1024xf32, #tpu.memory_space<vmem>>) dst(%dma_wait3A_110 : memref<32x1024xf32, #tpu.memory_space<hbm>>)
    %add3A_115 = arith.constant 992 : i32
    %add3A_116 = arith.addi %multiple_of3A, %add3A_115 : i32
    %multiple_of3A_117 = tpu.assume_multiple %add3A_116, 32 : i32
    %dma_wait3A_118 = arith.constant 1 : i32
    %dma_wait3A_119 = arith.constant 0 : i32
    %dma_wait3A_120 = arith.constant 0 : i32
    %dma_wait3A_121 = tpu.memref_slice %arg6[%dma_wait3A_118, %dma_wait3A_119, %dma_wait3A_120] : memref<3x32x1024xf32, #tpu.memory_space<vmem>> -> memref<1x32x1024xf32, #tpu.memory_space<vmem>>
    %dma_wait3A_122 = tpu.memref_squeeze %dma_wait3A_121 : memref<1x32x1024xf32, #tpu.memory_space<vmem>> -> memref<32x1024xf32, #tpu.memory_space<vmem>>
    %dma_wait3A_123 = arith.constant 0 : i32
    %dma_wait3A_124 = tpu.memref_slice %arg4[%multiple_of3A_117, %dma_wait3A_123] : memref<32768x1024xf32, #tpu.memory_space<hbm>> -> memref<32x1024xf32, #tpu.memory_space<hbm>>
    %dma_wait3A_125 = arith.constant 0 : i32
    %dma_wait3A_126 = tpu.memref_slice %arg4[%multiple_of3A_117, %dma_wait3A_125] : memref<32768x1024xf32, #tpu.memory_space<hbm>> -> memref<32x1024xf32, #tpu.memory_space<hbm>>
    %dma_wait3A_127 = arith.constant 0 : i32
    %dma_wait3A_128 = arith.constant 0 : i32
    %dma_wait3A_129 = tpu.memref_slice %arg6[%dma_wait3A_118, %dma_wait3A_127, %dma_wait3A_128] : memref<3x32x1024xf32, #tpu.memory_space<vmem>> -> memref<1x32x1024xf32, #tpu.memory_space<vmem>>
    %dma_wait3A_130 = tpu.memref_squeeze %dma_wait3A_129 : memref<1x32x1024xf32, #tpu.memory_space<vmem>> -> memref<32x1024xf32, #tpu.memory_space<vmem>>
    tpu.wait_dma2 semaphore(%arg11 : memref<!tpu.dma_semaphore, #tpu.memory_space<semaphore_mem>>) src(%dma_wait3A_130 : memref<32x1024xf32, #tpu.memory_space<vmem>>) dst(%dma_wait3A_126 : memref<32x1024xf32, #tpu.memory_space<hbm>>)
    return
  }
}

</mosaic_0001>

<sc_bundles>
// kernel: _gather_rows.3.cloned.1.call-start
scs
__scs_entry_jumppad:
0x0: {  	(pc) =	sbr.rel $0x88, $3  }
0x1: {  	(tag) =	ssettag $0x0;
	lr =	simm.s32 $0x1  }
0x2: {  	[smem:$0x3F9F] =	sst lr;
	_ =	strace $0xD0000000  }
0x3: {  	_ = 	snop  }
0x4: {  	_ = 	snop  }
0x5: {  	_ = 	snop  }
0x6: {  	_ = 	snop  }
0x7: {  	_ = 	snop  }
__scs_overlays_trampoline_lowered:
0x8: {  	[smem:$0x3FAE] =	sst s0  }
0x9: {  	[smem:$0x3FAF] =	sst s1  }
0xa: {  	[smem:$0x3FB0] =	sst s2  }
0xb: {  	[smem:$0x3FB1] =	sst s3  }
0xc: {  	[smem:$0x3FB2] =	sst s4  }
0xd: {  	[smem:$0x3FB3] =	sst s5  }
0xe: {  	[smem:$0x3FB4] =	sst s6  }
0xf: {  	[smem:$0x3FB5] =	sst s7  }
0x10: {  	[smem:$0x3FB6] =	sst s8  }
0x11: {  	[smem:$0x3FB7] =	sst s9;
	s0 =	simm.s32 @!p0 $0x0  }
0x12: {  	s1 =	sld [smem:$0x3F9D];
	s0 =	simm.s32 @p0 $0x1  }
0x13: {  	[smem:$0x3FB8] =	sst s0;
	s0 =	simm.s32 @!p1 $0x0  }
0x14: {  	s2 =	sld [smem:$0x3F9C];
	s0 =	simm.s32 @p1 $0x1  }
0x15: {  	[smem:$0x3FB9] =	sst s0;
	s0 =	simm.s32 @!p2 $0x0  }
0x16: {  	s3 =	sld [smem:$0x3FDB];
	s0 =	simm.s32 @p2 $0x1  }
0x17: {  	s4 =	simm.s32 $0x1BF5;
	[smem:$0x3FBB] =	sst s0  }
0x18: {  	s0 =	sld [smem:$0x3F9E];
	_ =	swait.ge [sflag:s4], $0x0  }
0x19: {  	s7 =	sld [smem:$0x3F9F]  }
0x1a: {  	s8 =	sadd.s32 $0xFFFFE003, lr  }
0x1b: {  	s9 =	sadd.s32 $0xFFFFFEF7, lr;
	s5 =	simm.s32 $0xFFFFFFFF;
	p2 =	slt.u32 s8, $0xFFFFF086  }
0x1c: {  	p1 =	slt.u32 s9, $0xF7A;
	s5 =	simm.s32 @!p2 $0x0  }
0x1d: {  	s5 =	simm.s32 @p1 $0x1;
	p0 =	seq.s32 s7, s2  }
0x1e: {  	s7 =	smul.u32 @!p0 $0xF7A, s2;
	p2 =	seq.s32 @!p0 s5, $0x0  }
0x1f: {  	s9 =	smul.u32 $0xF7A, s1;
	s8 =	simm.s32 @!p0 $0x1BF5;
	p2 =	por !p2, p0  }
0x20: {  	[sflag:s8] =	ssyncset.s32 @!p0 $0xFFFFF086;
	s6 =	sadd.s32 @!p0 s3, s7;
	s7 =	simm.s32 @!p0 $0x108  }
0x21: {  	s3 =	sadd.s32 s3, s9;
	s6 =	sadd.s32 @!p0 $0x88, s6;
	s7 =	simm.s32 @p2 $0x1082  }
0x22: {  	[simem:s7], [sflag:s8] =	dma.local @!p0 [hbm:s6], $0xF7A  }
0x23: {  	s9 =	sor.u32 $0xD0000000, s2;
	s6 =	simm.s32 $0x108;
	_ =	swait.ge @!p0 [sflag:s8], $0x0  }
0x24: {  	s3 =	sadd.s32 $0x88, s3;
	s6 =	simm.s32 @!p1 $0x1082;
	[sflag:s4] =	ssyncset.s32 $0xFFFFF086  }
0x25: {  	[simem:s6], [sflag:s4] =	dma.local [hbm:s3], $0xF7A  }
0x26: {  	[smem:$0x3F9F] =	sst s1;
	(tag) =	ssettag s2;
	_ =	strace s9  }
0x27: {  	s1 =	sld [smem:$0x3FAF]  }
0x28: {  	s2 =	sld [smem:$0x3FB0]  }
0x29: {  	s4 =	sld [smem:$0x3FB2]  }
0x2a: {  	p0 =	seq.s32 s5, $0x0;
	s5 =	sld [smem:$0x3FB3]  }
0x2b: {  	s6 =	sld [smem:$0x3FB4]  }
0x2c: {  	s7 =	sld [smem:$0x3FB5]  }
0x2d: {  	s3 =	simm.s32 $0x108;
	s8 =	sld [smem:$0x3FB6]  }
0x2e: {  	s3 =	simm.s32 @!p0 $0x1082;
	s9 =	sld [smem:$0x3FB7]  }
0x2f: {  	lr =	sadd.s32 s0, s3;
	s0 =	sld [smem:$0x3FAE]  }
0x30: {  	s3 =	sld [smem:$0x3FB1]  }
0x31: {  	[smem:$0x3FBA] =	sst s10  }
0x32: {  	s10 =	sld [smem:$0x3FB8];
	_ =	sdelay $0x3  }
0x33: {  	p0 =	seq.s32 s10, $0x1;
	s10 =	sld [smem:$0x3FBA];
	_ =	sdelay $0x3  }
0x34: {  	[smem:$0x3FBA] =	sst s10  }
0x35: {  	s10 =	sld [smem:$0x3FB9];
	_ =	sdelay $0x3  }
0x36: {  	p1 =	seq.s32 s10, $0x1;
	s10 =	sld [smem:$0x3FBA];
	_ =	sdelay $0x3  }
0x37: {  	[smem:$0x3FBA] =	sst s10  }
0x38: {  	s10 =	sld [smem:$0x3FBB]  }
0x39: {  	_ = 	snop;
	(pc) =	sbr.ind lr, $3  }
0x3a: {  	_ = 	snop  }
0x3b: {  	_ = 	snop  }
0x3c: {  	p2 =	seq.s32 s10, $0x1;
	s10 =	sld [smem:$0x3FBA]  }
0x3d: {  	_ =	shalt  }
0x3e: {  	_ =	shalt  }
0x3f: {  	_ =	shalt  }
0x40: {  	_ =	shalt  }
0x41: {  	_ =	shalt  }
0x42: {  	_ =	shalt  }
0x43: {  	_ =	shalt  }
0x44: {  	_ =	shalt  }
0x45: {  	_ =	shalt  }
0x46: {  	_ =	shalt  }
0x47: {  	_ =	shalt  }
0x48: {  	_ =	shalt  }
0x49: {  	_ =	shalt  }
0x4a: {  	_ =	shalt  }
0x4b: {  	_ =	shalt  }
0x4c: {  	_ =	shalt  }
0x4d: {  	_ =	shalt  }
0x4e: {  	_ =	shalt  }
0x4f: {  	_ =	shalt  }
0x50: {  	_ =	shalt  }
0x51: {  	_ =	shalt  }
0x52: {  	_ =	shalt  }
0x53: {  	_ =	shalt  }
0x54: {  	_ =	shalt  }
0x55: {  	_ =	shalt  }
0x56: {  	_ =	shalt  }
0x57: {  	_ =	shalt  }
0x58: {  	_ =	shalt  }
0x59: {  	_ =	shalt  }
0x5a: {  	_ =	shalt  }
0x5b: {  	_ =	shalt  }
0x5c: {  	_ =	shalt  }
0x5d: {  	_ =	shalt  }
0x5e: {  	_ =	shalt  }
0x5f: {  	_ =	shalt  }
0x60: {  	_ =	shalt  }
0x61: {  	_ =	shalt  }
0x62: {  	_ =	shalt  }
0x63: {  	_ =	shalt  }
0x64: {  	_ =	shalt  }
0x65: {  	_ =	shalt  }
0x66: {  	_ =	shalt  }
0x67: {  	_ =	shalt  }
0x68: {  	_ =	shalt  }
0x69: {  	_ =	shalt  }
0x6a: {  	_ =	shalt  }
0x6b: {  	_ =	shalt  }
0x6c: {  	_ =	shalt  }
0x6d: {  	_ =	shalt  }
0x6e: {  	_ =	shalt  }
0x6f: {  	_ =	shalt  }
0x70: {  	_ =	shalt  }
0x71: {  	_ =	shalt  }
0x72: {  	_ =	shalt  }
0x73: {  	_ =	shalt  }
0x74: {  	_ =	shalt  }
0x75: {  	_ =	shalt  }
0x76: {  	_ =	shalt  }
0x77: {  	_ =	shalt  }
0x78: {  	_ =	shalt  }
0x79: {  	_ =	shalt  }
0x7a: {  	_ =	shalt  }
0x7b: {  	_ =	shalt  }
0x7c: {  	_ =	shalt  }
0x7d: {  	_ =	shalt  }
0x7e: {  	_ =	shalt  }
0x7f: {  	_ =	shalt  }
0x80: {  	_ =	shalt  }
0x81: {  	_ =	shalt  }
0x82: {  	_ =	shalt  }
0x83: {  	_ =	shalt  }
0x84: {  	_ =	shalt  }
0x85: {  	_ =	shalt  }
0x86: {  	_ =	shalt  }
0x87: {  	_ =	shalt  }
.Lfunc_end0:
.L_simem_size_0:
called_computation_lowered:
.L_overlay_start_0:
0x88: {  	s2 =	sld [smem:$0x3FD9]  }
0x89: {  	s3 =	sld [smem:$0x3FFE];
	_ =	sdelay $0x1  }
0x8a: {  	s1 =	srdreg.scid  }
0x8b: {  	s0 =	sand.u32 $0x1, s1  }
0x8c: {  	s18 =	sshll.u32 s0, $0xA;
	s2 =	sadd.s32 s3, s2  }
0x8d: {  	s2 =	sadd.s32 s2, s18  }
0x8e: {  	[smem:$0x3FC6] =	sst s2  }
0x8f: {  	_ = 	snop  }
0x90: {  	s2 =	sld [smem:$0x3FC9]  }
0x91: {  	s19 =	sld [smem:$0x3FC8]  }
0x92: {  	s4 =	sld [smem:$0x3FD0];
	(tm) =	ssettm $0x1  }
0x93: {  	s5 =	sld [smem:$0x3FFB];
	_ =	sdelay $0x3  }
0x94: {  	_ =	strace s5  }
0x95: {  	s5 =	sld [smem:$0x3FFC];
	_ =	sdelay $0x3  }
0x96: {  	_ =	strace s5  }
0x97: {  	s5 =	sld [smem:$0x3FFD];
	_ =	sdelay $0x3  }
0x98: {  	_ =	strace s5  }
0x99: {  	_ =	strace $0x8FFFFFFF  }
0x9a: {  	s20 =	sld [smem:$0x3FDB];
	_ =	sdelay $0x1  }
0x9b: {  	s6 =	simm.s32 $_scs_section_size  }
0x9c: {  	s7 =	simm.s32 $_size__tile_overlayer_lowered;
	s8 =	simm.s32 $_tile_overlayer_lowered  }
0x9d: {  	s23 =	simm.s32 $0x1BFF;
	s22 =	sshll.u32 s8, $0x1;
	s5 =	sadd.s32 s6, s20  }
0x9e: {  	s9 =	simm.s32 $0x0;
	s21 =	sshll.u32 s7, $0x1;
	s7 =	sadd.s32 s22, s5  }
0x9f: {  	[timem:s9], [sflag:s23] =	dma.local [hbm:s7], s21  }
0xa0: {  	_ =	swait.ge [sflag:s23], s21  }
0xa1: {  	s6 =	ssub.s32 $0x0, s21;
	[sflag:s23] =	ssyncset.done $0x0  }
0xa2: {  	[sflag:s23] =	ssyncadd.s32 s6;
	_ =	sdelay $0x1  }
0xa3: {  	s24 =	simm.s32 $0x1B8B  }
0xa4: {  	_ =	swait.ge [sflag:s24], $0x1  }
0xa5: {  	[sflag:s24] =	ssyncset.done $0x0  }
0xa6: {  	s25 =	simm.s32 $0x1B8E;
	[sflag:s24] =	ssyncadd.s32 $0xFFFFFFFF  }
0xa7: {  	s26 =	simm.s32 $execute0_lowered;
	[smem:$0x3FD2] =	sst s25  }
0xa8: {  	s6 =	sshll.u32 s26, $0x1;
	_ =	strace $0x80000046;
	[dreg:$0x1] =	wrdreg $0xFFFFFFFF  }
0xa9: {  	s28 =	simm.s32 $_size_execute0_lowered;
	s5 =	sadd.s32 s5, s6;
	[dreg:$0x0] =	wrdreg $0x0  }
0xaa: {  	s6 =	sshll.u32 s28, $0x1;
	[dreg:$0x2] =	wrdreg s5  }
0xab: {  	[dreg:$0x3] =	wrdreg s6  }
0xac: {  	[dreg:$0x4] =	wrdreg $0xC0  }
0xad: {  	_ =	task [dreg:s9], $0x5FFFF  }
0xae: {  	[dreg:$0x1] =	wrdreg $0xFFFFFFFF  }
0xaf: {  	[dreg:$0x0] =	wrdreg $0x60  }
0xb0: {  	[dreg:$0x2] =	wrdreg s2  }
0xb1: {  	[dreg:$0x3] =	wrdreg s19  }
0xb2: {  	[dreg:$0x4] =	wrdreg s4  }
0xb3: {  	[dreg:$0x5] =	wrdreg $0x9  }
0xb4: {  	_ =	task.clear_ibuf [dreg:s9], $0x6FFFF;
	_ =	strace $0x90000046  }
0xb5: {  	s29 =	simm.s32 $0x9;
	_ =	strace $0x80000048  }
0xb6: {  	_ =	swait.ge [sflag:s29], $0x1  }
0xb7: {  	[sflag:s29] =	ssyncadd.s32 $0xFFFFFFFF  }
0xb8: {  	_ =	strace $0x90000048  }
0xb9: {  	_ =	sfence  }
0xba: {  	s30 =	sld [smem:$0x0];
	_ =	sdelay $0x2  }
0xbb: {  	s31 =	sshll.u32 s1, $0xD;
	s1 =	sshrl.u32 s1, $0x2  }
0xbc: {  	s3 =	sand.u32 $0x4000, s31;
	s1 =	sadd.s32 s1, s30  }
0xbd: {  	s0 =	sor.u32 s3, s0;
	s1 =	sshll.u32 s1, $0x11  }
0xbe: {  	s0 =	sor.u32 s1, s0  }
0xbf: {  	s0 =	sadd.s32 $0x8F2B, s0  }
0xc0: {  	[sflag:s0] =	ssyncadd.remote.s32 $0x1  }
0xc1: {  	_ =	sfence.sel $0xFFFF  }
0xc2: {  	[dreg:$0x0] =	wrdreg $0xFFFFFFFF;
	(pc) =	sbr.abs _section_cstart, $3  }
0xc3: {  	[dreg:$0x1] =	wrdreg $0xFFFFFFFF  }
0xc4: {  	_ =	task.clear_ibuf [dreg:s9], $0x2FFFF;
	_ =	strace $0x9FFFFFFF  }
0xc5: {  	(tm) =	ssettm $0x7FFFFFFF  }
tec
execute0_lowered:
.L_overlay_start_1:
0x0: {  	(tag) =	ssettag $0x1  }
0x1: {  	s0 =	rddreg [dreg:$0x0]  }
0x2: {  	s1 =	rddreg [dreg:$0x1]  }
0x3: {  	s2 =	rddreg [dreg:$0x2];
	s4 =	srdreg.scid;
	s3 =	simm.s32 $0x0  }
0x4: {  	s10 =	stileid.u32;
	s11 =	simm.s32 $0x11400;
	s13 =	simm.s32 $0x11C00  }
0x5: {  	s14 =	simm.s32 $0x12400;
	s15 =	simm.s32 $0x12C00;
	[smem:$0x7FF] =	sst s3  }
0x6: {  	s30 =	simm.s32 $0xC00;
	_ =	strace $0x80000047;
	[dreg:$0x7] =	wrdreg s11  }
0x7: {  	s16 =	simm.s32 $0x13400;
	s31 =	simm.s32 $0x1400;
	[dreg:$0x8] =	wrdreg s13  }
0x8: {  	s17 =	simm.s32 $0x13C00;
	s18 =	simm.s32 $0x14400;
	[dreg:$0x9] =	wrdreg s14  }
0x9: {  	s19 =	simm.s32 $0x14C00;
	s20 =	simm.s32 $0x15400;
	[dreg:$0xa] =	wrdreg s15  }
0xa: {  	s21 =	simm.s32 $0x15C00;
	s29 =	simm.s32 $0x8400;
	[dreg:$0xb] =	wrdreg s16  }
0xb: {  	s28 =	simm.s32 $0x8C00;
	s4 =	sand.u32 $0x1, s4;
	[dreg:$0xc] =	wrdreg s17  }
0xc: {  	s7 =	sshll.u32 s10, $0xB;
	s23 =	sshll.u32 s10, $0x15;
	[dreg:$0xd] =	wrdreg s18  }
0xd: {  	s10 =	sshll.u32 s10, $0x12;
	s5 =	ssub.s32 $0x2, s4;
	[dreg:$0xe] =	wrdreg s19  }
0xe: {  	s8 =	sshll.u32 s4, $0xA;
	s24 =	sshll.u32 s4, $0x14;
	[dreg:$0xf] =	wrdreg s20  }
0xf: {  	s10 =	sadd.s32 s10, s2;
	s4 =	sshll.u32 s4, $0x11;
	[dreg:$0x10] =	wrdreg s21  }
0x10: {  	s11 =	simm.s32 $0x4C00;
	s13 =	simm.s32 $0x5400;
	s14 =	simm.s32 $0x5C00  }
0x11: {  	s15 =	simm.s32 $0x6400;
	s16 =	simm.s32 $0x7400;
	s17 =	simm.s32 $0x7C00  }
0x12: {  	s18 =	simm.s32 $0x9400;
	s19 =	simm.s32 $0x1;
	s20 =	simm.s32 $0x10400  }
0x13: {  	s21 =	simm.s32 $0x2;
	s6 =	sshrl.u32 s5, $0x1;
	s8 =	sor.u32 s8, s7  }
0x14: {  	s25 =	sor.u32 s24, s23;
	s7 =	sadd.s32 $0x300, s1;
	s26 =	sadd.s32 s4, s10  }
0x15: {  	s10 =	simm.s32 $0x10C00;
	s4 =	simm.s32 $0x2C00;
	s23 =	simm.s32 $0x16C00  }
0x16: {  	s24 =	simm.s32 $0x17400;
	s9 =	ssub.s32 s5, s6;
	[dreg:$0x5] =	wrdreg s26  }
0x17: {  	s22 =	sshrl.u32 s8, $0x3;
	s5 =	sadd.s32 $0x100, s1;
	[dreg:$0x6] =	wrdreg s10  }
0x18: {  	s6 =	sadd.s32 $0x200, s1;
	s8 =	sshll.u32 s8, $0x7;
	[dreg:$0x12] =	wrdreg s23  }
0x19: {  	s26 =	simm.s32 $0x1C00;
	s10 =	simm.s32 $0x4400;
	[dreg:$0x13] =	wrdreg s24  }
0x1a: {  	s23 =	simm.s32 $0x3;
	s24 =	simm.s32 $0x5;
	s0 =	sadd.s32 s0, s22  }
0x1b: {  	s12 =	smax.u32 s9, $0x1;
	s9 =	simm.s32 $0x3C00;
	[dreg:$0x15] =	wrdreg s0  }
0x1c: {  	s22 =	simm.s32 $0x16400;
	s0 =	sor.u32 $0x8000, s25;
	[dreg:$0x18] =	wrdreg s12  }
0x1d: {  	s12 =	simm.s32 $0x400;
	[dreg:$0x11] =	wrdreg s22;
	s25 =	simm.s32 $0x17C00  }
0x1e: {  	s0 =	sshrl.u32 s0, $0x3;
	[dreg:$0x14] =	wrdreg s25;
	s25 =	simm.s32 $0x0  }
0x1f: {  	s0 =	sadd.s32 s0, s2;
	s2 =	sadd.s32 s8, s2;
	[dreg:$0x19] =	wrdreg s25  }
0x20: {  	v2 =	vlaneseq.u32;
	s22 =	simm.s32 $0x4;
	[dreg:$0x4] =	wrdreg s0;
	s8 =	sadd.s32 $0x1E000, s2  }
0x21: {  	vm0 =	vmmov $0xffff;
	v1 =	vshrl.u32 v2, $0x3;
	s2 =	sadd.s32 $0x1F000, s2;
	s0 =	simm.s32 $0x6C00;
	[dreg:$0x16] =	wrdreg s8  }
0x22: {  	v0 =	vand.u32 $0x7, v2;
	v2 =	vor.u32 $0x8, v2;
	v1 =	vmul.u32 $0x8, v1;
	[dreg:$0x17] =	wrdreg s2;
	s2 =	simm.s32 $0x2400;
	s8 =	simm.s32 $0x3400  }
.LBB2_1:
0x23: {  	s25 =	rddreg [dreg:$0x15]  }
0x24: {  	[tilespmem:s3], [sflag:$0x7] =	stream.linear.gather [hbm4b:s25+s3], $0x400, $0x38;
	[tilespmem:$0x18400] =	vst v63  }
0x25: {  	s25 =	simm.s32 $0x7  }
0x26: {  	_ =	swait.ge [sflag:s25], $0x400  }
0x27: {  	[sflag:s25] =	ssyncset.done $0x0  }
0x28: {  	[sflag:s25] =	ssyncadd.s32 $0xFFFFFC00  }
0x29: {  	v3 =	vld [tilespmem:$0x0];
	_ =	sdelay $0x4  }
0x2a: {  	v4 =	vshll.u32 v3, $0x3  }
0x2b: {  	v3 =	vand.u32 $0x7, v3;
	v4 =	vand.u32 $0xFFFFFFC0, v4  }
0x2c: {  	v3 =	vor.u32 v3, v4  }
0x2d: {  	v4 =	vperm.xlane v3, v0;
	_ =	sdelay $0x1  }
0x2e: {  	v4 =	vadd.s32 v1, v4;
	_ =	sdelay $0x4  }
0x2f: {  	[tilespmem:s12], [sflag:$0x1] =	stream.indirect_vreg.gather [hbm4b:s1+s3], $0x80, v4, vm0, $0xb8;
	[tilespmem:$0x18400] =	vst v63  }
0x30: {  	v3 =	vperm.xlane v3, v2  }
0x31: {  	[tilespmem:s30], [sflag:$0x1] =	stream.indirect_vreg.gather [hbm4b:s5+s3], $0x80, v4, vm0, $0xb8;
	[tilespmem:$0x18400] =	vst v63  }
0x32: {  	v3 =	vadd.s32 v1, v3  }
0x33: {  	[tilespmem:s31], [sflag:$0x1] =	stream.indirect_vreg.gather [hbm4b:s6+s3], $0x80, v4, vm0, $0xb8;
	[tilespmem:$0x18400] =	vst v63  }
0x34: {  	_ = 	snop  }
0x35: {  	[tilespmem:s26], [sflag:$0x1] =	stream.indirect_vreg.gather [hbm4b:s7+s3], $0x80, v4, vm0, $0xb8;
	[tilespmem:$0x18400] =	vst v63  }
0x36: {  	_ = 	snop  }
0x37: {  	[tilespmem:s2], [sflag:$0x1] =	stream.indirect_vreg.gather [hbm4b:s1+s3], $0x80, v3, vm0, $0xb8;
	[tilespmem:$0x18400] =	vst v63  }
0x38: {  	_ = 	snop  }
0x39: {  	[tilespmem:s4], [sflag:$0x1] =	stream.indirect_vreg.gather [hbm4b:s5+s3], $0x80, v3, vm0, $0xb8;
	[tilespmem:$0x18400] =	vst v63  }
0x3a: {  	_ = 	snop  }
0x3b: {  	[tilespmem:s8], [sflag:$0x1] =	stream.indirect_vreg.gather [hbm4b:s6+s3], $0x80, v3, vm0, $0xb8;
	[tilespmem:$0x18400] =	vst v63  }
0x3c: {  	_ = 	snop  }
0x3d: {  	[tilespmem:s9], [sflag:$0x1] =	stream.indirect_vreg.gather [hbm4b:s7+s3], $0x80, v3, vm0, $0xb8;
	[tilespmem:$0x18400] =	vst v63  }
0x3e: {  	v3 =	vld [tilespmem:$0x10];
	_ =	sdelay $0x4  }
0x3f: {  	v61 =	vshll.u32 v3, $0x3  }
0x40: {  	v3 =	vand.u32 $0x7, v3;
	v4 =	vand.u32 $0xFFFFFFC0, v61  }
0x41: {  	v3 =	vor.u32 v3, v4  }
0x42: {  	v4 =	vperm.xlane v3, v0;
	_ =	sdelay $0x1  }
0x43: {  	v4 =	vadd.s32 v1, v4;
	_ =	sdelay $0x4  }
0x44: {  	[tilespmem:s10], [sflag:$0x1] =	stream.indirect_vreg.gather [hbm4b:s1+s3], $0x80, v4, vm0, $0xb8;
	[tilespmem:$0x18400] =	vst v63  }
0x45: {  	v3 =	vperm.xlane v3, v2  }
0x46: {  	[tilespmem:s11], [sflag:$0x1] =	stream.indirect_vreg.gather [hbm4b:s5+s3], $0x80, v4, vm0, $0xb8;
	[tilespmem:$0x18400] =	vst v63  }
0x47: {  	v3 =	vadd.s32 v1, v3  }
0x48: {  	[tilespmem:s13], [sflag:$0x1] =	stream.indirect_vreg.gather [hbm4b:s6+s3], $0x80, v4, vm0, $0xb8;
	[tilespmem:$0x18400] =	vst v63  }
0x49: {  	_ = 	snop  }
0x4a: {  	[tilespmem:s14], [sflag:$0x1] =	stream.indirect_vreg.gather [hbm4b:s7+s3], $0x80, v4, vm0, $0xb8;
	[tilespmem:$0x18400] =	vst v63  }
0x4b: {  	_ = 	snop  }
0x4c: {  	[tilespmem:s15], [sflag:$0x1] =	stream.indirect_vreg.gather [hbm4b:s1+s3], $0x80, v3, vm0, $0xb8;
	[tilespmem:$0x18400] =	vst v63  }
0x4d: {  	_ = 	snop  }
0x4e: {  	[tilespmem:s0], [sflag:$0x1] =	stream.indirect_vreg.gather [hbm4b:s5+s3], $0x80, v3, vm0, $0xb8;
	[tilespmem:$0x18400] =	vst v63  }
0x4f: {  	_ = 	snop  }
0x50: {  	[tilespmem:s16], [sflag:$0x1] =	stream.indirect_vreg.gather [hbm4b:s6+s3], $0x80, v3, vm0, $0xb8;
	[tilespmem:$0x18400] =	vst v63  }
0x51: {  	_ = 	snop  }
0x52: {  	[tilespmem:s17], [sflag:$0x1] =	stream.indirect_vreg.gather [hbm4b:s7+s3], $0x80, v3, vm0, $0xb8;
	[tilespmem:$0x18400] =	vst v63  }
0x53: {  	v3 =	vld [tilespmem:$0x20];
	_ =	sdelay $0x4  }
0x54: {  	v62 =	vshll.u32 v3, $0x3  }
0x55: {  	v3 =	vand.u32 $0x7, v3;
	v4 =	vand.u32 $0xFFFFFFC0, v62  }
0x56: {  	v3 =	vor.u32 v3, v4  }
0x57: {  	v4 =	vperm.xlane v3, v0;
	_ =	sdelay $0x1  }
0x58: {  	v4 =	vadd.s32 v1, v4;
	_ =	sdelay $0x4  }
0x59: {  	[tilespmem:s29], [sflag:$0x2] =	stream.indirect_vreg.gather [hbm4b:s1+s3], $0x80, v4, vm0, $0xb8;
	[tilespmem:$0x18400] =	vst v63  }
0x5a: {  	v3 =	vperm.xlane v3, v2  }
0x5b: {  	[tilespmem:s28], [sflag:$0x2] =	stream.indirect_vreg.gather [hbm4b:s5+s3], $0x80, v4, vm0, $0xb8;
	[tilespmem:$0x18400] =	vst v63  }
0x5c: {  	v3 =	vadd.s32 v1, v3  }
0x5d: {  	[tilespmem:s18], [sflag:$0x2] =	stream.indirect_vreg.gather [hbm4b:s6+s3], $0x80, v4, vm0, $0xb8;
	[tilespmem:$0x18400] =	vst v63  }
0x5e: {  	s14 =	simm.s32 $0x9C00  }
0x5f: {  	[tilespmem:s14], [sflag:$0x2] =	stream.indirect_vreg.gather [hbm4b:s7+s3], $0x80, v4, vm0, $0xb8;
	[tilespmem:$0x18400] =	vst v63  }
0x60: {  	s15 =	simm.s32 $0xA400  }
0x61: {  	[tilespmem:s15], [sflag:$0x2] =	stream.indirect_vreg.gather [hbm4b:s1+s3], $0x80, v3, vm0, $0xb8;
	[tilespmem:$0x18400] =	vst v63  }
0x62: {  	s16 =	simm.s32 $0xAC00  }
0x63: {  	[tilespmem:s16], [sflag:$0x2] =	stream.indirect_vreg.gather [hbm4b:s5+s3], $0x80, v3, vm0, $0xb8;
	[tilespmem:$0x18400] =	vst v63  }
0x64: {  	s17 =	simm.s32 $0xB400  }
0x65: {  	[tilespmem:s17], [sflag:$0x2] =	stream.indirect_vreg.gather [hbm4b:s6+s3], $0x80, v3, vm0, $0xb8;
	[tilespmem:$0x18400] =	vst v63  }
0x66: {  	s18 =	simm.s32 $0xBC00  }
0x67: {  	[tilespmem:s18], [sflag:$0x2] =	stream.indirect_vreg.gather [hbm4b:s7+s3], $0x80, v3, vm0, $0xb8;
	[tilespmem:$0x18400] =	vst v63  }
0x68: {  	v3 =	vld [tilespmem:$0x30];
	_ =	sdelay $0x4  }
0x69: {  	v63 =	vshll.u32 v3, $0x3  }
0x6a: {  	v3 =	vand.u32 $0x7, v3;
	v4 =	vand.u32 $0xFFFFFFC0, v63  }
0x6b: {  	v3 =	vor.u32 v3, v4  }
0x6c: {  	v4 =	vperm.xlane v3, v0;
	_ =	sdelay $0x1  }
0x6d: {  	v4 =	vadd.s32 v1, v4;
	_ =	sdelay $0x3  }
0x6e: {  	s25 =	simm.s32 $0xC400  }
0x6f: {  	[tilespmem:s25], [sflag:$0x2] =	stream.indirect_vreg.gather [hbm4b:s1+s3], $0x80, v4, vm0, $0xb8;
	[tilespmem:$0x18400] =	vst v63  }
0x70: {  	s26 =	simm.s32 $0xCC00;
	v3 =	vperm.xlane v3, v2  }
0x71: {  	[tilespmem:s26], [sflag:$0x2] =	stream.indirect_vreg.gather [hbm4b:s5+s3], $0x80, v4, vm0, $0xb8;
	[tilespmem:$0x18400] =	vst v63  }
0x72: {  	s30 =	simm.s32 $0xDC00;
	s28 =	simm.s32 $0xD400;
	v3 =	vadd.s32 v1, v3  }
0x73: {  	[tilespmem:s28], [sflag:$0x2] =	stream.indirect_vreg.gather [hbm4b:s6+s3], $0x80, v4, vm0, $0xb8;
	[tilespmem:$0x18400] =	vst v63  }
0x74: {  	s31 =	simm.s32 $0xE400;
	s2 =	simm.s32 $0x2400;
	s4 =	simm.s32 $0x2C00  }
0x75: {  	[tilespmem:s30], [sflag:$0x2] =	stream.indirect_vreg.gather [hbm4b:s7+s3], $0x80, v4, vm0, $0xb8;
	[tilespmem:$0x18400] =	vst v63  }
0x76: {  	s8 =	simm.s32 $0x3400;
	s9 =	simm.s32 $0x3C00;
	s10 =	simm.s32 $0x4400  }
0x77: {  	[tilespmem:s31], [sflag:$0x2] =	stream.indirect_vreg.gather [hbm4b:s1+s3], $0x80, v3, vm0, $0xb8;
	[tilespmem:$0x18400] =	vst v63  }
0x78: {  	s11 =	simm.s32 $0x4C00;
	s13 =	simm.s32 $0x5400;
	s0 =	simm.s32 $0xEC00  }
0x79: {  	[tilespmem:s0], [sflag:$0x2] =	stream.indirect_vreg.gather [hbm4b:s5+s3], $0x80, v3, vm0, $0xb8;
	[tilespmem:$0x18400] =	vst v63  }
0x7a: {  	s14 =	simm.s32 $0x5C00;
	s15 =	simm.s32 $0x6400;
	s16 =	simm.s32 $0xF400  }
0x7b: {  	[tilespmem:s16], [sflag:$0x2] =	stream.indirect_vreg.gather [hbm4b:s6+s3], $0x80, v3, vm0, $0xb8;
	[tilespmem:$0x18400] =	vst v63  }
0x7c: {  	s17 =	simm.s32 $0xFC00;
	s25 =	simm.s32 $0x90;
	s26 =	simm.s32 $0x0  }
0x7d: {  	[tilespmem:s17], [sflag:$0x2] =	stream.indirect_vreg.gather [hbm4b:s7+s3], $0x80, v3, vm0, $0xb8;
	[tilespmem:$0x18400] =	vst v63  }
.LBB2_2:
0x7e: {  	_ =	swait.ge [sflag:s19], $0x8000  }
0x7f: {  	p0 =	seq.s32 s26, $0x0;
	s28 =	rddreg [dreg:$0x5];
	[sflag:s19] =	ssyncset.done $0x0  }
0x80: {  	s30 =	simm.s32 @!p0 $0x6;
	[sflag:s19] =	ssyncadd.s32 $0xFFFF8000;
	s28 =	sadd.s32 s26, s28  }
0x81: {  	[hbm4b:s28+s3] =	stream.linear.scatter [tilespmem:s12], [sflag:$0x4], $0x8000, $0x38;
	[tilespmem:$0x18400] =	vst v63  }
0x82: {  	_ =	swait.ge @!p0 [sflag:s30], $0x8000  }
0x83: {  	[sflag:s30] =	ssyncset.done @!p0 $0x0  }
0x84: {  	[sflag:s30] =	ssyncadd.s32 @!p0 $0xFFFF8000  }
0x85: {  	v3 =	vld [tilespmem:s25+$0xFFFFFFB0];
	_ =	sdelay $0x4  }
0x86: {  	v4 =	vshll.u32 v3, $0x3  }
0x87: {  	v3 =	vand.u32 $0x7, v3;
	v4 =	vand.u32 $0xFFFFFFC0, v4  }
0x88: {  	v3 =	vor.u32 v3, v4  }
0x89: {  	v4 =	vperm.xlane v3, v0;
	_ =	sdelay $0x1  }
0x8a: {  	v4 =	vadd.s32 v1, v4;
	_ =	sdelay $0x4  }
0x8b: {  	[tilespmem:s20], [sflag:$0x3] =	stream.indirect_vreg.gather [hbm4b:s1+s3], $0x80, v4, vm0, $0xb8;
	[tilespmem:$0x18400] =	vst v63  }
0x8c: {  	s30 =	rddreg [dreg:$0x6];
	v3 =	vperm.xlane v3, v2  }
0x8d: {  	[tilespmem:s30], [sflag:$0x3] =	stream.indirect_vreg.gather [hbm4b:s5+s3], $0x80, v4, vm0, $0xb8;
	[tilespmem:$0x18400] =	vst v63  }
0x8e: {  	s31 =	rddreg [dreg:$0x7];
	v3 =	vadd.s32 v1, v3  }
0x8f: {  	[tilespmem:s31], [sflag:$0x3] =	stream.indirect_vreg.gather [hbm4b:s6+s3], $0x80, v4, vm0, $0xb8;
	[tilespmem:$0x18400] =	vst v63  }
0x90: {  	s30 =	rddreg [dreg:$0x8]  }
0x91: {  	[tilespmem:s30], [sflag:$0x3] =	stream.indirect_vreg.gather [hbm4b:s7+s3], $0x80, v4, vm0, $0xb8;
	[tilespmem:$0x18400] =	vst v63  }
0x92: {  	s31 =	rddreg [dreg:$0x9]  }
0x93: {  	[tilespmem:s31], [sflag:$0x3] =	stream.indirect_vreg.gather [hbm4b:s1+s3], $0x80, v3, vm0, $0xb8;
	[tilespmem:$0x18400] =	vst v63  }
0x94: {  	s30 =	rddreg [dreg:$0xa]  }
0x95: {  	[tilespmem:s30], [sflag:$0x3] =	stream.indirect_vreg.gather [hbm4b:s5+s3], $0x80, v3, vm0, $0xb8;
	[tilespmem:$0x18400] =	vst v63  }
0x96: {  	s31 =	rddreg [dreg:$0xb]  }
0x97: {  	[tilespmem:s31], [sflag:$0x3] =	stream.indirect_vreg.gather [hbm4b:s6+s3], $0x80, v3, vm0, $0xb8;
	[tilespmem:$0x18400] =	vst v63  }
0x98: {  	s30 =	rddreg [dreg:$0xc]  }
0x99: {  	[tilespmem:s30], [sflag:$0x3] =	stream.indirect_vreg.gather [hbm4b:s7+s3], $0x80, v3, vm0, $0xb8;
	[tilespmem:$0x18400] =	vst v63  }
0x9a: {  	v3 =	vld [tilespmem:s25+$0xFFFFFFC0];
	_ =	sdelay $0x4  }
0x9b: {  	v59 =	vshll.u32 v3, $0x3  }
0x9c: {  	v3 =	vand.u32 $0x7, v3;
	v4 =	vand.u32 $0xFFFFFFC0, v59  }
0x9d: {  	v3 =	vor.u32 v3, v4  }
0x9e: {  	v4 =	vperm.xlane v3, v0;
	_ =	sdelay $0x1  }
0x9f: {  	v4 =	vadd.s32 v1, v4;
	_ =	sdelay $0x3  }
0xa0: {  	s30 =	rddreg [dreg:$0xd]  }
0xa1: {  	[tilespmem:s30], [sflag:$0x3] =	stream.indirect_vreg.gather [hbm4b:s1+s3], $0x80, v4, vm0, $0xb8;
	[tilespmem:$0x18400] =	vst v63  }
0xa2: {  	s31 =	rddreg [dreg:$0xe];
	v3 =	vperm.xlane v3, v2  }
0xa3: {  	[tilespmem:s31], [sflag:$0x3] =	stream.indirect_vreg.gather [hbm4b:s5+s3], $0x80, v4, vm0, $0xb8;
	[tilespmem:$0x18400] =	vst v63  }
0xa4: {  	v3 =	vadd.s32 v1, v3;
	s30 =	rddreg [dreg:$0xf]  }
0xa5: {  	[tilespmem:s30], [sflag:$0x3] =	stream.indirect_vreg.gather [hbm4b:s6+s3], $0x80, v4, vm0, $0xb8;
	[tilespmem:$0x18400] =	vst v63  }
0xa6: {  	s31 =	rddreg [dreg:$0x10]  }
0xa7: {  	[tilespmem:s31], [sflag:$0x3] =	stream.indirect_vreg.gather [hbm4b:s7+s3], $0x80, v4, vm0, $0xb8;
	[tilespmem:$0x18400] =	vst v63  }
0xa8: {  	s30 =	rddreg [dreg:$0x11]  }
0xa9: {  	[tilespmem:s30], [sflag:$0x3] =	stream.indirect_vreg.gather [hbm4b:s1+s3], $0x80, v3, vm0, $0xb8;
	[tilespmem:$0x18400] =	vst v63  }
0xaa: {  	s31 =	rddreg [dreg:$0x12]  }
0xab: {  	[tilespmem:s31], [sflag:$0x3] =	stream.indirect_vreg.gather [hbm4b:s5+s3], $0x80, v3, vm0, $0xb8;
	[tilespmem:$0x18400] =	vst v63  }
0xac: {  	s30 =	rddreg [dreg:$0x13]  }
0xad: {  	[tilespmem:s30], [sflag:$0x3] =	stream.indirect_vreg.gather [hbm4b:s6+s3], $0x80, v3, vm0, $0xb8;
	[tilespmem:$0x18400] =	vst v63  }
0xae: {  	s31 =	rddreg [dreg:$0x14]  }
0xaf: {  	[tilespmem:s31], [sflag:$0x3] =	stream.indirect_vreg.gather [hbm4b:s7+s3], $0x80, v3, vm0, $0xb8;
	[tilespmem:$0x18400] =	vst v63  }
0xb0: {  	_ =	swait.ge [sflag:s21], $0x8000  }
0xb1: {  	s30 =	rddreg [dreg:$0x4];
	[sflag:s21] =	ssyncset.done $0x0  }
0xb2: {  	[sflag:s21] =	ssyncadd.s32 $0xFFFF8000;
	s30 =	sadd.s32 s26, s30  }
0xb3: {  	[hbm4b:s30+s3] =	stream.linear.scatter [tilespmem:s29], [sflag:$0x5], $0x8000, $0x38;
	[tilespmem:$0x18400] =	vst v63  }
0xb4: {  	_ =	swait.ge [sflag:s22], $0x8000  }
0xb5: {  	[sflag:s22] =	ssyncset.done $0x0  }
0xb6: {  	[sflag:s22] =	ssyncadd.s32 $0xFFFF8000  }
0xb7: {  	v3 =	vld [tilespmem:s25+$0xFFFFFFD0];
	_ =	sdelay $0x4  }
0xb8: {  	v60 =	vshll.u32 v3, $0x3  }
0xb9: {  	v3 =	vand.u32 $0x7, v3;
	v4 =	vand.u32 $0xFFFFFFC0, v60  }
0xba: {  	v3 =	vor.u32 v3, v4  }
0xbb: {  	v4 =	vperm.xlane v3, v0;
	_ =	sdelay $0x1  }
0xbc: {  	v4 =	vadd.s32 v1, v4;
	_ =	sdelay $0x4  }
0xbd: {  	[tilespmem:s12], [sflag:$0x1] =	stream.indirect_vreg.gather [hbm4b:s1+s3], $0x80, v4, vm0, $0xb8;
	[tilespmem:$0x18400] =	vst v63  }
0xbe: {  	s30 =	simm.s32 $0xC00;
	v3 =	vperm.xlane v3, v2  }
0xbf: {  	[tilespmem:s30], [sflag:$0x1] =	stream.indirect_vreg.gather [hbm4b:s5+s3], $0x80, v4, vm0, $0xb8;
	[tilespmem:$0x18400] =	vst v63  }
0xc0: {  	s31 =	simm.s32 $0x1400;
	v3 =	vadd.s32 v1, v3  }
0xc1: {  	[tilespmem:s31], [sflag:$0x1] =	stream.indirect_vreg.gather [hbm4b:s6+s3], $0x80, v4, vm0, $0xb8;
	[tilespmem:$0x18400] =	vst v63  }
0xc2: {  	s18 =	simm.s32 $0x1C00  }
0xc3: {  	[tilespmem:s18], [sflag:$0x1] =	stream.indirect_vreg.gather [hbm4b:s7+s3], $0x80, v4, vm0, $0xb8;
	[tilespmem:$0x18400] =	vst v63  }
0xc4: {  	_ = 	snop  }
0xc5: {  	[tilespmem:s2], [sflag:$0x1] =	stream.indirect_vreg.gather [hbm4b:s1+s3], $0x80, v3, vm0, $0xb8;
	[tilespmem:$0x18400] =	vst v63  }
0xc6: {  	_ = 	snop  }
0xc7: {  	[tilespmem:s4], [sflag:$0x1] =	stream.indirect_vreg.gather [hbm4b:s5+s3], $0x80, v3, vm0, $0xb8;
	[tilespmem:$0x18400] =	vst v63  }
0xc8: {  	_ = 	snop  }
0xc9: {  	[tilespmem:s8], [sflag:$0x1] =	stream.indirect_vreg.gather [hbm4b:s6+s3], $0x80, v3, vm0, $0xb8;
	[tilespmem:$0x18400] =	vst v63  }
0xca: {  	_ = 	snop  }
0xcb: {  	[tilespmem:s9], [sflag:$0x1] =	stream.indirect_vreg.gather [hbm4b:s7+s3], $0x80, v3, vm0, $0xb8;
	[tilespmem:$0x18400] =	vst v63  }
0xcc: {  	v3 =	vld [tilespmem:s25+$0xFFFFFFE0];
	_ =	sdelay $0x4  }
0xcd: {  	v61 =	vshll.u32 v3, $0x3  }
0xce: {  	v3 =	vand.u32 $0x7, v3;
	v4 =	vand.u32 $0xFFFFFFC0, v61  }
0xcf: {  	v3 =	vor.u32 v3, v4  }
0xd0: {  	v4 =	vperm.xlane v3, v0;
	_ =	sdelay $0x1  }
0xd1: {  	v4 =	vadd.s32 v1, v4;
	_ =	sdelay $0x4  }
0xd2: {  	[tilespmem:s10], [sflag:$0x1] =	stream.indirect_vreg.gather [hbm4b:s1+s3], $0x80, v4, vm0, $0xb8;
	[tilespmem:$0x18400] =	vst v63  }
0xd3: {  	v3 =	vperm.xlane v3, v2  }
0xd4: {  	[tilespmem:s11], [sflag:$0x1] =	stream.indirect_vreg.gather [hbm4b:s5+s3], $0x80, v4, vm0, $0xb8;
	[tilespmem:$0x18400] =	vst v63  }
0xd5: {  	v3 =	vadd.s32 v1, v3  }
0xd6: {  	[tilespmem:s13], [sflag:$0x1] =	stream.indirect_vreg.gather [hbm4b:s6+s3], $0x80, v4, vm0, $0xb8;
	[tilespmem:$0x18400] =	vst v63  }
0xd7: {  	_ = 	snop  }
0xd8: {  	[tilespmem:s14], [sflag:$0x1] =	stream.indirect_vreg.gather [hbm4b:s7+s3], $0x80, v4, vm0, $0xb8;
	[tilespmem:$0x18400] =	vst v63  }
0xd9: {  	_ = 	snop  }
0xda: {  	[tilespmem:s15], [sflag:$0x1] =	stream.indirect_vreg.gather [hbm4b:s1+s3], $0x80, v3, vm0, $0xb8;
	[tilespmem:$0x18400] =	vst v63  }
0xdb: {  	s18 =	simm.s32 $0x6C00  }
0xdc: {  	[tilespmem:s18], [sflag:$0x1] =	stream.indirect_vreg.gather [hbm4b:s5+s3], $0x80, v3, vm0, $0xb8;
	[tilespmem:$0x18400] =	vst v63  }
0xdd: {  	s18 =	simm.s32 $0x7400  }
0xde: {  	[tilespmem:s18], [sflag:$0x1] =	stream.indirect_vreg.gather [hbm4b:s6+s3], $0x80, v3, vm0, $0xb8;
	[tilespmem:$0x18400] =	vst v63  }
0xdf: {  	s18 =	simm.s32 $0x7C00  }
0xe0: {  	[tilespmem:s18], [sflag:$0x1] =	stream.indirect_vreg.gather [hbm4b:s7+s3], $0x80, v3, vm0, $0xb8;
	[tilespmem:$0x18400] =	vst v63  }
0xe1: {  	_ =	swait.ge [sflag:s23], $0x8000  }
0xe2: {  	[sflag:s23] =	ssyncset.done $0x0  }
0xe3: {  	s28 =	sadd.s32 $0x2000, s28;
	[sflag:s23] =	ssyncadd.s32 $0xFFFF8000  }
0xe4: {  	[hbm4b:s28+s3] =	stream.linear.scatter [tilespmem:s20], [sflag:$0x6], $0x8000, $0x38;
	[tilespmem:$0x18400] =	vst v63  }
0xe5: {  	_ =	swait.ge [sflag:s24], $0x8000  }
0xe6: {  	[sflag:s24] =	ssyncset.done $0x0  }
0xe7: {  	[sflag:s24] =	ssyncadd.s32 $0xFFFF8000  }
0xe8: {  	v3 =	vld [tilespmem:s25+$0xFFFFFFF0];
	_ =	sdelay $0x4  }
0xe9: {  	v62 =	vshll.u32 v3, $0x3  }
0xea: {  	v3 =	vand.u32 $0x7, v3;
	v4 =	vand.u32 $0xFFFFFFC0, v62  }
0xeb: {  	v3 =	vor.u32 v3, v4  }
0xec: {  	v4 =	vperm.xlane v3, v0;
	_ =	sdelay $0x1  }
0xed: {  	v4 =	vadd.s32 v1, v4;
	_ =	sdelay $0x4  }
0xee: {  	[tilespmem:s29], [sflag:$0x2] =	stream.indirect_vreg.gather [hbm4b:s1+s3], $0x80, v4, vm0, $0xb8;
	[tilespmem:$0x18400] =	vst v63  }
0xef: {  	s28 =	simm.s32 $0x8C00;
	v3 =	vperm.xlane v3, v2  }
0xf0: {  	[tilespmem:s28], [sflag:$0x2] =	stream.indirect_vreg.gather [hbm4b:s5+s3], $0x80, v4, vm0, $0xb8;
	[tilespmem:$0x18400] =	vst v63  }
0xf1: {  	s18 =	simm.s32 $0x9400;
	v3 =	vadd.s32 v1, v3  }
0xf2: {  	[tilespmem:s18], [sflag:$0x2] =	stream.indirect_vreg.gather [hbm4b:s6+s3], $0x80, v4, vm0, $0xb8;
	[tilespmem:$0x18400] =	vst v63  }
0xf3: {  	s18 =	simm.s32 $0x9C00  }
0xf4: {  	[tilespmem:s18], [sflag:$0x2] =	stream.indirect_vreg.gather [hbm4b:s7+s3], $0x80, v4, vm0, $0xb8;
	[tilespmem:$0x18400] =	vst v63  }
0xf5: {  	s18 =	simm.s32 $0xA400  }
0xf6: {  	[tilespmem:s18], [sflag:$0x2] =	stream.indirect_vreg.gather [hbm4b:s1+s3], $0x80, v3, vm0, $0xb8;
	[tilespmem:$0x18400] =	vst v63  }
0xf7: {  	s18 =	simm.s32 $0xAC00  }
0xf8: {  	[tilespmem:s18], [sflag:$0x2] =	stream.indirect_vreg.gather [hbm4b:s5+s3], $0x80, v3, vm0, $0xb8;
	[tilespmem:$0x18400] =	vst v63  }
0xf9: {  	s18 =	simm.s32 $0xB400  }
0xfa: {  	[tilespmem:s18], [sflag:$0x2] =	stream.indirect_vreg.gather [hbm4b:s6+s3], $0x80, v3, vm0, $0xb8;
	[tilespmem:$0x18400] =	vst v63  }
0xfb: {  	s18 =	simm.s32 $0xBC00  }
0xfc: {  	[tilespmem:s18], [sflag:$0x2] =	stream.indirect_vreg.gather [hbm4b:s7+s3], $0x80, v3, vm0, $0xb8;
	[tilespmem:$0x18400] =	vst v63  }
0xfd: {  	v3 =	vld [tilespmem:s25+$0x0];
	_ =	sdelay $0x4  }
0xfe: {  	v63 =	vshll.u32 v3, $0x3  }
0xff: {  	v3 =	vand.u32 $0x7, v3;
	v4 =	vand.u32 $0xFFFFFFC0, v63  }
0x100: {  	v3 =	vor.u32 v3, v4  }
0x101: {  	v4 =	vperm.xlane v3, v0;
	_ =	sdelay $0x1  }
0x102: {  	v4 =	vadd.s32 v1, v4;
	_ =	sdelay $0x3  }
0x103: {  	s18 =	simm.s32 $0xC400  }
0x104: {  	[tilespmem:s18], [sflag:$0x2] =	stream.indirect_vreg.gather [hbm4b:s1+s3], $0x80, v4, vm0, $0xb8;
	[tilespmem:$0x18400] =	vst v63  }
0x105: {  	v3 =	vperm.xlane v3, v2;
	s18 =	simm.s32 $0xCC00  }
0x106: {  	[tilespmem:s18], [sflag:$0x2] =	stream.indirect_vreg.gather [hbm4b:s5+s3], $0x80, v4, vm0, $0xb8;
	[tilespmem:$0x18400] =	vst v63  }
0x107: {  	v3 =	vadd.s32 v1, v3;
	s18 =	simm.s32 $0xD400  }
0x108: {  	[tilespmem:s18], [sflag:$0x2] =	stream.indirect_vreg.gather [hbm4b:s6+s3], $0x80, v4, vm0, $0xb8;
	[tilespmem:$0x18400] =	vst v63  }
0x109: {  	s18 =	simm.s32 $0xDC00  }
0x10a: {  	[tilespmem:s18], [sflag:$0x2] =	stream.indirect_vreg.gather [hbm4b:s7+s3], $0x80, v4, vm0, $0xb8;
	[tilespmem:$0x18400] =	vst v63  }
0x10b: {  	s26 =	sadd.s32 $0x3000, s26;
	s18 =	simm.s32 $0xE400  }
0x10c: {  	[tilespmem:s18], [sflag:$0x2] =	stream.indirect_vreg.gather [hbm4b:s1+s3], $0x80, v3, vm0, $0xb8;
	[tilespmem:$0x18400] =	vst v63  }
0x10d: {  	p0 =	sne.s32 s26, $0x1E000  }
0x10e: {  	[tilespmem:s0], [sflag:$0x2] =	stream.indirect_vreg.gather [hbm4b:s5+s3], $0x80, v3, vm0, $0xb8;
	[tilespmem:$0x18400] =	vst v63  }
.Ltmp0:
0x10f: {  	_ = 	snop;
	(pc) =	sbr.rel @p0 .LBB2_2-.Ltmp0, $4  }
0x110: {  	_ = 	snop  }
0x111: {  	[tilespmem:s16], [sflag:$0x2] =	stream.indirect_vreg.gather [hbm4b:s6+s3], $0x80, v3, vm0, $0xb8;
	[tilespmem:$0x18400] =	vst v63  }
0x112: {  	s25 =	sadd.s32 $0x60, s25  }
0x113: {  	[tilespmem:s17], [sflag:$0x2] =	stream.indirect_vreg.gather [hbm4b:s7+s3], $0x80, v3, vm0, $0xb8;
	[tilespmem:$0x18400] =	vst v63  }
0x114: {  	_ =	swait.ge [sflag:s19], $0x8000  }
0x115: {  	[sflag:s19] =	ssyncset.done $0x0  }
0x116: {  	s0 =	simm.s32 $0x6;
	s25 =	rddreg [dreg:$0x16];
	[sflag:s19] =	ssyncadd.s32 $0xFFFF8000  }
0x117: {  	[hbm4b:s25+s3] =	stream.linear.scatter [tilespmem:s12], [sflag:$0x4], $0x8000, $0x38;
	[tilespmem:$0x18400] =	vst v63  }
0x118: {  	_ =	swait.ge [sflag:s0], $0x8000  }
0x119: {  	[sflag:s0] =	ssyncset.done $0x0  }
0x11a: {  	[sflag:s0] =	ssyncadd.s32 $0xFFFF8000  }
0x11b: {  	_ =	swait.ge [sflag:s21], $0x8000  }
0x11c: {  	[sflag:s21] =	ssyncset.done $0x0  }
0x11d: {  	s18 =	rddreg [dreg:$0x17];
	[sflag:s21] =	ssyncadd.s32 $0xFFFF8000  }
0x11e: {  	[hbm4b:s18+s3] =	stream.linear.scatter [tilespmem:s29], [sflag:$0x5], $0x8000, $0x38;
	[tilespmem:$0x18400] =	vst v63  }
0x11f: {  	_ =	swait.ge [sflag:s22], $0x8000  }
0x120: {  	[sflag:s22] =	ssyncset.done $0x0  }
0x121: {  	[sflag:s22] =	ssyncadd.s32 $0xFFFF8000  }
0x122: {  	_ =	swait.ge [sflag:s24], $0x8000  }
0x123: {  	s25 =	rddreg [dreg:$0x19]  }
0x124: {  	s2 =	simm.s32 $0x2400;
	s26 =	rddreg [dreg:$0x18];
	s0 =	sadd.s32 $0x1, s25  }
0x125: {  	s4 =	simm.s32 $0x2C00;
	s8 =	simm.s32 $0x3400;
	p0 =	sne.s32 s0, s26  }
.Ltmp1:
0x126: {  	s9 =	simm.s32 $0x3C00;
	s10 =	simm.s32 $0x4400;
	(pc) =	sbr.rel @p0 .LBB2_1-.Ltmp1, $4  }
0x127: {  	s11 =	simm.s32 $0x4C00;
	s13 =	simm.s32 $0x5400;
	s14 =	simm.s32 $0x5C00  }
0x128: {  	s15 =	simm.s32 $0x6400;
	s16 =	simm.s32 $0x7400;
	[sflag:s24] =	ssyncset.done $0x0  }
0x129: {  	s17 =	simm.s32 $0x7C00;
	s18 =	simm.s32 $0x9400;
	[sflag:s24] =	ssyncadd.s32 $0xFFFF8000  }
0x12a: {  	[dreg:$0x19] =	wrdreg s0;
	s26 =	simm.s32 $0x1C00;
	s0 =	simm.s32 $0x6C00  }
0x12b: {  	_ =	sfence.sel $0x180000  }
0x12c: {  	[bflag:$0x0] =	sbarrier.arrive $0xFFFF  }
0x12d: {  	_ =	strace $0x90000047  }
0x12e: {  	s0 =	stileid.u32;
	[bflag:$0x2] =	sbarrier.arrive $0xFFFF  }
0x12f: {  	p0 =	sne.s32 s0, $0x0;
	s0 =	rddreg [dreg:$0x3]  }
0x130: {  	s0 =	sadd.s32 @!p0 $0x100000, s0  }
0x131: {  	[sflag:s0] =	ssyncadd.tile.s32 @!p0 $0x1;
	_ =	shalt  }
.Lfunc_end2:
_tile_overlayer_lowered:
.L_overlay_start_2:
0x132: {  	(tag) =	ssettag $0x2  }
0x133: {  	s0 =	rddreg [dreg:$0x0];
	s2 =	stileid.u32  }
0x134: {  	s1 =	rddreg [dreg:$0x1];
	p0 =	sne.s32 s2, $0x0  }
0x135: {  	s3 =	rddreg [dreg:$0x2];
	[bflag:$0x3] =	sbarrier.arrive $0xFFFF;
	s2 =	simm.s32 @!p0 $0x1C07  }
0x136: {  	[timem:s3], [sflag:s2] =	dma.local @!p0 [hbm:s0], s1  }
0x137: {  	s0 =	simm.s32 @!p0 $0x7  }
0x138: {  	_ =	swait.ge @!p0 [sflag:s0], s1  }
0x139: {  	s1 =	ssub.s32 @!p0 $0x0, s1;
	[sflag:s0] =	ssyncset.done @!p0 $0x0  }
0x13a: {  	[sflag:s0] =	ssyncadd.s32 @!p0 s1  }
0x13b: {  	[bflag:$0x3] =	sbarrier.arrive $0xFFFF  }
0x13c: {  	_ =	shalt  }

</sc_bundles>
